<compile_context>
chip_gen: v7x
topology: tpu7x:2x2x1
jax: 0.10.2.dev20260603
libtpu: 0.0.44.dev20260713+nightly
codegen_flags: <defaults>
</compile_context>

<pallas_src>
import functools
import math

import numpy as np

import jax
import jax.numpy as jnp
from jax import lax
from jax.experimental import pallas as pl
from jax.experimental.pallas import tpu as pltpu
from jax.experimental.pallas import tpu_sc as plsc

N = 10000
E = 320000
D_STR = 58
ALPHA = 0.4
THETA = 0.9

N_PAD = 10240
NTILES = 32
CHUNK = 128
G_C0 = 108
G_C1 = 50
GMAX = max(G_C0, G_C1)
E_CAP = 16 * (G_C0 + G_C1) * CHUNK
ROWS_PER_TILE = N_PAD // 16

_MESH = plsc.VectorSubcoreMesh(core_axis_name="c", subcore_axis_name="s")

_E_SPLIT = 16 * G_C0 * CHUNK


def _edge_layout(flat, pad_value):
    a = flat[:_E_SPLIT].reshape(16, G_C0, CHUNK)
    b = flat[_E_SPLIT:].reshape(16, G_C1, CHUNK)
    if G_C0 > G_C1:
        b = jnp.pad(b, ((0, 0), (0, GMAX - G_C1), (0, 0)), constant_values=pad_value)
    else:
        a = jnp.pad(a, ((0, 0), (0, GMAX - G_C0), (0, 0)), constant_values=pad_value)
    return jnp.concatenate([a, b], axis=0)



@functools.partial(
    pl.kernel,
    out_type=jax.ShapeDtypeStruct((NTILES, N_PAD), jnp.float32),
    mesh=_MESH,
    compiler_params=pltpu.CompilerParams(needs_layout_passes=False),
    scratch_types=[
        pltpu.VMEM((GMAX, CHUNK), jnp.int32),
        pltpu.VMEM((N_PAD,), jnp.float32),
    ],
)
def _deg_kernel(col_hbm, zeros1d_hbm, out_hbm, col_vm, acc_vm):
    c = lax.axis_index("c")
    s = lax.axis_index("s")
    w = c * 16 + s
    pltpu.sync_copy(zeros1d_hbm, acc_vm)
    pltpu.sync_copy(col_hbm.at[w], col_vm)
    ones = jnp.full((16,), 1.0, dtype=jnp.float32)

    def body(g, carry):
        for j in range(CHUNK // 16):
            idx = col_vm[g, pl.ds(j * 16, 16)]
            plsc.addupdate_scatter(acc_vm, [idx], ones)
        return carry

    @pl.when(c == 0)
    def _():
        lax.fori_loop(0, G_C0, body, 0)

    @pl.when(c != 0)
    def _():
        lax.fori_loop(0, G_C1, body, 0)

    pltpu.sync_copy(acc_vm, out_hbm.at[w])


@functools.partial(
    pl.kernel,
    out_type=jax.ShapeDtypeStruct((2, N_PAD, 128), jnp.float32),
    mesh=_MESH,
    scratch_types=[
        pltpu.VMEM((GMAX, CHUNK), jnp.int32),
        pltpu.VMEM((GMAX, CHUNK), jnp.int32),
        pltpu.VMEM((CHUNK, 128), jnp.float32),
        pltpu.SemaphoreType.DMA,
        pltpu.VMEM_SHARED((N_PAD, 128), jnp.float32),
    ],
)
def _msg_kernel(hs_hbm, row_hbm, col_hbm, zeros2d_hbm, out_hbm,
                row_vm, col_vm, buf, sem, acc_sh):
    c = lax.axis_index("c")
    s = lax.axis_index("s")
    w = c * 16 + s
    pltpu.sync_copy(zeros2d_hbm, acc_sh.at[pl.ds(s * ROWS_PER_TILE, ROWS_PER_TILE)])
    pltpu.sync_copy(row_hbm.at[w], row_vm)
    pltpu.sync_copy(col_hbm.at[w], col_vm)
    plsc.subcore_barrier()

    def body(g, carry):
        pltpu.async_copy(hs_hbm.at[row_vm.at[g]], buf, sem).wait()
        pltpu.sync_copy(buf, acc_sh.at[col_vm.at[g]], add=True)
        return carry

    @pl.when(c == 0)
    def _():
        lax.fori_loop(0, G_C0, body, 0)

    @pl.when(c != 0)
    def _():
        lax.fori_loop(0, G_C1, body, 0)

    plsc.subcore_barrier()
    pltpu.sync_copy(
        acc_sh.at[pl.ds(s * ROWS_PER_TILE, ROWS_PER_TILE)],
        out_hbm.at[c, pl.ds(s * ROWS_PER_TILE, ROWS_PER_TILE)],
    )



_BLK = 2048
_GRID = N_PAD // _BLK
_DOT = dict(preferred_element_type=jnp.float32, precision=jax.lax.Precision.HIGHEST)


def _pre_body(xcat_ref, degp_ref, wblk_ref, bcat_ref, h0_ref, hs_ref, dis_ref):
    deg = jnp.sum(degp_ref[...], axis=0)
    dis = jnp.where(deg > 0, lax.rsqrt(jnp.maximum(deg, 1e-12)), 0.0)
    h = jnp.maximum(jnp.dot(xcat_ref[...], wblk_ref[...], **_DOT) + bcat_ref[...], 0.0)
    h0_ref[...] = h
    hs_ref[...] = h * dis[:, None]
    dis_ref[...] = jnp.broadcast_to(dis[:, None], (_BLK, 128))


_pre_call = pl.pallas_call(
    _pre_body,
    grid=(_GRID,),
    in_specs=[
        pl.BlockSpec((_BLK, 192), lambda i: (i, 0)),
        pl.BlockSpec((NTILES, _BLK), lambda i: (0, i)),
        pl.BlockSpec((192, 128), lambda i: (0, 0)),
        pl.BlockSpec((1, 128), lambda i: (0, 0)),
    ],
    out_specs=[
        pl.BlockSpec((_BLK, 128), lambda i: (i, 0)),
        pl.BlockSpec((_BLK, 128), lambda i: (i, 0)),
        pl.BlockSpec((_BLK, 128), lambda i: (i, 0)),
    ],
    out_shape=[jax.ShapeDtypeStruct((N_PAD, 128), jnp.float32)] * 3,
)


def _layer_body(agg_ref, h0_ref, dis_ref, w1_ref, w2_ref, out_ref, *, beta):
    agg = (agg_ref[0] + agg_ref[1]) * dis_ref[...] * (1.0 - ALPHA)
    h0a = h0_ref[...] * ALPHA
    t = (1.0 - beta) * (agg + h0a) + beta * (
        jnp.dot(agg, w1_ref[...], **_DOT) + jnp.dot(h0a, w2_ref[...], **_DOT))
    out_ref[...] = jnp.maximum(t, 0.0) * dis_ref[...]


def _final_body(agg_ref, h0_ref, dis_ref, w1_ref, w2_ref, wz_ref, bz_ref,
                out_ref, *, beta):
    agg = (agg_ref[0] + agg_ref[1]) * dis_ref[...] * (1.0 - ALPHA)
    h0a = h0_ref[...] * ALPHA
    t = (1.0 - beta) * (agg + h0a) + beta * (
        jnp.dot(agg, w1_ref[...], **_DOT) + jnp.dot(h0a, w2_ref[...], **_DOT))
    h = jnp.maximum(t, 0.0)
    out_ref[...] = jnp.dot(h, wz_ref[...], **_DOT) + bz_ref[...]


def _make_layer_call(body, beta, extra_specs=(), n_extra=0):
    return pl.pallas_call(
        functools.partial(body, beta=beta),
        grid=(_GRID,),
        in_specs=[
            pl.BlockSpec((2, _BLK, 128), lambda i: (0, i, 0)),
            pl.BlockSpec((_BLK, 128), lambda i: (i, 0)),
            pl.BlockSpec((_BLK, 128), lambda i: (i, 0)),
            pl.BlockSpec((128, 128), lambda i: (0, 0)),
            pl.BlockSpec((128, 128), lambda i: (0, 0)),
            *extra_specs,
        ],
        out_specs=pl.BlockSpec((_BLK, 128), lambda i: (i, 0)),
        out_shape=jax.ShapeDtypeStruct((N_PAD, 128), jnp.float32),
    )


def _beta(i):
    return float(math.log(THETA / (i + 1) + 1.0))


_layer1_call = _make_layer_call(_layer_body, _beta(0))
_final_call = _make_layer_call(
    _final_body, _beta(1),
    extra_specs=(pl.BlockSpec((128, 128), lambda i: (0, 0)),
                 pl.BlockSpec((1, 128), lambda i: (0, 0))),
)



def kernel(x, data_str, edge_index, lins0_w, lins0_b, lins1_w, lins1_b,
           lin11_w, lin11_b, lin3_w, lin3_b,
           convs_w1, convs_w2, convs1_w1, convs1_w2):
    f32 = jnp.float32
    row = edge_index[0]
    col = edge_index[1]
    row_p = jnp.concatenate([row, jnp.zeros((E_CAP - E,), jnp.int32)])
    col_p = jnp.concatenate([col, jnp.full((E_CAP - E,), N, jnp.int32)])
    row_t = _edge_layout(row_p, 0)
    col_t = _edge_layout(col_p, N)

    x_p = jnp.pad(x, ((0, N_PAD - N), (0, 0)))
    ds_p = jnp.pad(data_str, ((0, N_PAD - N), (0, 64 - D_STR)))
    xcat = jnp.concatenate([x_p, ds_p], axis=1)

    zero64 = jnp.zeros((64, 64), f32)
    wblk = jnp.concatenate([
        jnp.concatenate([lins0_w, jnp.zeros((128, 64), f32)], axis=1),
        jnp.concatenate([jnp.zeros((64, 64), f32),
                         jnp.pad(lin11_w, ((0, 64 - D_STR), (0, 0)))], axis=1),
    ], axis=0)
    bcat = jnp.concatenate([lins0_b, lin11_b]).reshape(1, 128)

    def blkdiag(a, b):
        return jnp.concatenate([
            jnp.concatenate([a, zero64], axis=1),
            jnp.concatenate([zero64, b], axis=1),
        ], axis=0)

    w1b = [blkdiag(convs_w1[i], convs1_w1[i]) for i in range(2)]
    w2b = [blkdiag(convs_w2[i], convs1_w2[i]) for i in range(2)]

    wz = jnp.zeros((128, 128), f32)
    wz = wz.at[:64, 0:1].set(lins1_w)
    wz = wz.at[64:, 1:2].set(lin3_w)
    bz = jnp.zeros((1, 128), f32)
    bz = bz.at[0, 0].set(lins1_b[0])
    bz = bz.at[0, 1].set(lin3_b[0])

    zeros1d = jnp.zeros((N_PAD,), f32)
    zeros2d = jnp.zeros((ROWS_PER_TILE, 128), f32)

    degp = _deg_kernel(col_t, zeros1d)
    h0, hs, dis = _pre_call(xcat, degp, wblk, bcat)

    agg1 = _msg_kernel(hs, row_t, col_t, zeros2d)
    hs1 = _layer1_call(agg1, h0, dis, w1b[0], w2b[0])

    agg2 = _msg_kernel(hs1, row_t, col_t, zeros2d)
    zcat = _final_call(agg2, h0, dis, w1b[1], w2b[1], wz, bz)

    return (zcat[:N, 0:1], zcat[:N, 1:2])

# --- scband reference (transcript-rebuilt; emitter-appended) ---
"""Pipeline reference for scband-net-16252156248255 (READ-ONLY COPY).

The authoritative reference and input builder live on the scoring server;
editing this copy changes nothing except your own understanding.
"""

import jax, jax.numpy as jnp
import numpy as np

N = 10000
E = 320000
D_FEAT = 128
D_STR = 58
H = 64
NUM_LAYERS = 2
ALPHA = 0.4
THETA = 0.9


def _lin_init(key, fan_in, fan_out):
    s = 1.0 / np.sqrt(fan_in)
    return jax.random.uniform(key, (fan_in, fan_out), minval=-s, maxval=s, dtype=jnp.float32)


def setup_inputs(seed: int = 0):
    key = jax.random.key(seed)
    ks = jax.random.split(key, 16)
    inp = {}
    inp['x'] = jax.random.normal(ks[0], (N, D_FEAT), dtype=jnp.float32)
    inp['data_str'] = jax.random.normal(ks[1], (N, D_STR), dtype=jnp.float32)
    inp['edge_index'] = jax.random.randint(ks[2], (2, E), 0, N, dtype=jnp.int32)
    inp['lins0_w'] = _lin_init(ks[3], D_FEAT, H)
    inp['lins0_b'] = jnp.zeros((H,), dtype=jnp.float32)
    inp['lins1_w'] = _lin_init(ks[4], H, 1)
    inp['lins1_b'] = jnp.zeros((1,), dtype=jnp.float32)
    inp['lin11_w'] = _lin_init(ks[5], D_STR, H)
    inp['lin11_b'] = jnp.zeros((H,), dtype=jnp.float32)
    inp['lin3_w'] = _lin_init(ks[6], H, 1)
    inp['lin3_b'] = jnp.zeros((1,), dtype=jnp.float32)
    # GCN2Conv weight1/weight2 per layer (shared_weights=False), glorot-ish init
    g = np.sqrt(6.0 / (H + H))
    inp['convs_w1'] = jax.random.uniform(ks[7], (NUM_LAYERS, H, H), minval=-g, maxval=g, dtype=jnp.float32)
    inp['convs_w2'] = jax.random.uniform(ks[8], (NUM_LAYERS, H, H), minval=-g, maxval=g, dtype=jnp.float32)
    inp['convs1_w1'] = jax.random.uniform(ks[9], (NUM_LAYERS, H, H), minval=-g, maxval=g, dtype=jnp.float32)
    inp['convs1_w2'] = jax.random.uniform(ks[10], (NUM_LAYERS, H, H), minval=-g, maxval=g, dtype=jnp.float32)
    return inp


def reference(x, data_str, edge_index, lins0_w, lins0_b, lins1_w, lins1_b,
              lin11_w, lin11_b, lin3_w, lin3_b,
              convs_w1, convs_w2, convs1_w1, convs1_w2):
    # eval mode: dropout is identity
    row = edge_index[0]
    col = edge_index[1]
    # symmetric gcn_norm, add_self_loops=False, edge_weight=1
    deg = jnp.zeros((N,), dtype=jnp.float32).at[col].add(1.0)
    dis = jnp.where(deg > 0, jax.lax.rsqrt(jnp.maximum(deg, 1e-12)), 0.0)
    norm = dis[row] * dis[col]

    def gcn2conv(h, h0, w1, w2, beta):
        msg = norm[:, None] * jnp.take(h, row, axis=0)
        agg = jnp.zeros_like(h).at[col].add(msg)
        agg = agg * (1.0 - ALPHA)
        h0a = ALPHA * h0
        out = (1.0 - beta) * agg + beta * (agg @ w1)
        out = out + (1.0 - beta) * h0a + beta * (h0a @ w2)
        return out

    h = jax.nn.relu(x @ lins0_w + lins0_b)
    h_init = h
    h1 = jax.nn.relu(data_str @ lin11_w + lin11_b)
    h1_init = h1
    for i in range(NUM_LAYERS):
        beta = float(np.log(THETA / (i + 1) + 1.0))
        h = jax.nn.relu(gcn2conv(h, h_init, convs_w1[i], convs_w2[i], beta))
    for i in range(NUM_LAYERS):
        beta = float(np.log(THETA / (i + 1) + 1.0))
        h1 = jax.nn.relu(gcn2conv(h1, h1_init, convs1_w1[i], convs1_w2[i], beta))
    z = h @ lins1_w + lins1_b
    z1 = h1 @ lin3_w + lin3_b
    return (z, z1)

if __name__ == "__main__":
    import jax
    _d = setup_inputs()
    print(jax.jit(kernel)(*tuple(_d.values())))

</pallas_src>

<mosaic_0001>
#map = affine_map<(d0, d1) -> (0, 0)>
#map1 = affine_map<(d0, d1) -> (0, 0, 0)>
module attributes {stable_mosaic.version = 14 : i64} {
  func.func @_msg_kernel(%arg0: i32, %arg1: i32, %arg2: memref<10240x128xf32, #tpu.memory_space<hbm>>, %arg3: memref<32x108x128xi32, #tpu.memory_space<hbm>>, %arg4: memref<32x108x128xi32, #tpu.memory_space<hbm>>, %arg5: memref<640x128xf32, #tpu.memory_space<hbm>>, %arg6: memref<2x10240x128xf32, #tpu.memory_space<hbm>>, %arg7: memref<108x128xi32, #tpu.memory_space<vmem>>, %arg8: memref<108x128xi32, #tpu.memory_space<vmem>>, %arg9: memref<128x128xf32, #tpu.memory_space<vmem>>, %arg10: memref<!tpu.dma_semaphore, #tpu.memory_space<semaphore_mem>>, %arg11: memref<10240x128xf32, #tpu.memory_space<vmem_shared>>) attributes {dimension_semantics = [#tpu.dimension_semantics<core_parallel>, #tpu.dimension_semantics<subcore_parallel>], iteration_bounds = array<i64: 2, 16>, scalar_prefetch = 0 : i64, scratch_operands = 5 : i64, tpu.core_type = #tpu.core_type<sc_vector_subcore>, window_params = [{transform_indices = #map}, {transform_indices = #map1}, {transform_indices = #map1}, {transform_indices = #map}, {transform_indices = #map1}]} {
    %mul3A = arith.constant 16 : i32
    %mul3A_0 = arith.muli %arg0, %mul3A : i32
    %add3A = arith.addi %mul3A_0, %arg1 : i32
    %mul3A_1 = arith.constant 640 : i32
    %mul3A_2 = arith.muli %arg1, %mul3A_1 : i32
    "tpu.region"() ({
      %run_scoped3A = tpu.sem_alloc : memref<!tpu.dma_semaphore, #tpu.memory_space<semaphore_mem>>
      %dma_start3A = arith.constant 0 : i32
      %dma_start3A_14 = tpu.memref_slice %arg11[%mul3A_2, %dma_start3A] : memref<10240x128xf32, #tpu.memory_space<vmem_shared>> -> memref<640x128xf32, #tpu.memory_space<vmem_shared>>
      tpu.enqueue_dma source(%arg5 : memref<640x128xf32, #tpu.memory_space<hbm>>) target(%dma_start3A_14 : memref<640x128xf32, #tpu.memory_space<vmem_shared>>) target_semaphore(%run_scoped3A : memref<!tpu.dma_semaphore, #tpu.memory_space<semaphore_mem>>)
      %dma_wait3A = arith.constant 0 : i32
      %dma_wait3A_15 = tpu.memref_slice %arg11[%mul3A_2, %dma_wait3A] : memref<10240x128xf32, #tpu.memory_space<vmem_shared>> -> memref<640x128xf32, #tpu.memory_space<vmem_shared>>
      tpu.wait_dma2 semaphore(%run_scoped3A : memref<!tpu.dma_semaphore, #tpu.memory_space<semaphore_mem>>) src(%arg5 : memref<640x128xf32, #tpu.memory_space<hbm>>) dst(%dma_wait3A_15 : memref<640x128xf32, #tpu.memory_space<vmem_shared>>)
      tpu.yield
    }) : () -> ()
    "tpu.region"() ({
      %run_scoped3A = tpu.sem_alloc : memref<!tpu.dma_semaphore, #tpu.memory_space<semaphore_mem>>
      %dma_start3A = arith.constant 0 : i32
      %dma_start3A_14 = arith.constant 0 : i32
      %dma_start3A_15 = tpu.memref_slice %arg3[%add3A, %dma_start3A, %dma_start3A_14] : memref<32x108x128xi32, #tpu.memory_space<hbm>> -> memref<1x108x128xi32, #tpu.memory_space<hbm>>
      %dma_start3A_16 = tpu.memref_squeeze %dma_start3A_15 : memref<1x108x128xi32, #tpu.memory_space<hbm>> -> memref<108x128xi32, #tpu.memory_space<hbm>>
      %dma_start3A_17 = arith.constant 0 : i32
      %dma_start3A_18 = arith.constant 0 : i32
      %dma_start3A_19 = tpu.memref_slice %arg3[%add3A, %dma_start3A_17, %dma_start3A_18] : memref<32x108x128xi32, #tpu.memory_space<hbm>> -> memref<1x108x128xi32, #tpu.memory_space<hbm>>
      %dma_start3A_20 = tpu.memref_squeeze %dma_start3A_19 : memref<1x108x128xi32, #tpu.memory_space<hbm>> -> memref<108x128xi32, #tpu.memory_space<hbm>>
      tpu.enqueue_dma source(%dma_start3A_20 : memref<108x128xi32, #tpu.memory_space<hbm>>) target(%arg7 : memref<108x128xi32, #tpu.memory_space<vmem>>) target_semaphore(%run_scoped3A : memref<!tpu.dma_semaphore, #tpu.memory_space<semaphore_mem>>)
      %dma_wait3A = arith.constant 0 : i32
      %dma_wait3A_21 = arith.constant 0 : i32
      %dma_wait3A_22 = tpu.memref_slice %arg3[%add3A, %dma_wait3A, %dma_wait3A_21] : memref<32x108x128xi32, #tpu.memory_space<hbm>> -> memref<1x108x128xi32, #tpu.memory_space<hbm>>
      %dma_wait3A_23 = tpu.memref_squeeze %dma_wait3A_22 : memref<1x108x128xi32, #tpu.memory_space<hbm>> -> memref<108x128xi32, #tpu.memory_space<hbm>>
      %dma_wait3A_24 = arith.constant 0 : i32
      %dma_wait3A_25 = arith.constant 0 : i32
      %dma_wait3A_26 = tpu.memref_slice %arg3[%add3A, %dma_wait3A_24, %dma_wait3A_25] : memref<32x108x128xi32, #tpu.memory_space<hbm>> -> memref<1x108x128xi32, #tpu.memory_space<hbm>>
      %dma_wait3A_27 = tpu.memref_squeeze %dma_wait3A_26 : memref<1x108x128xi32, #tpu.memory_space<hbm>> -> memref<108x128xi32, #tpu.memory_space<hbm>>
      tpu.wait_dma2 semaphore(%run_scoped3A : memref<!tpu.dma_semaphore, #tpu.memory_space<semaphore_mem>>) src(%dma_wait3A_27 : memref<108x128xi32, #tpu.memory_space<hbm>>) dst(%arg7 : memref<108x128xi32, #tpu.memory_space<vmem>>)
      tpu.yield
    }) : () -> ()
    "tpu.region"() ({
      %run_scoped3A = tpu.sem_alloc : memref<!tpu.dma_semaphore, #tpu.memory_space<semaphore_mem>>
      %dma_start3A = arith.constant 0 : i32
      %dma_start3A_14 = arith.constant 0 : i32
      %dma_start3A_15 = tpu.memref_slice %arg4[%add3A, %dma_start3A, %dma_start3A_14] : memref<32x108x128xi32, #tpu.memory_space<hbm>> -> memref<1x108x128xi32, #tpu.memory_space<hbm>>
      %dma_start3A_16 = tpu.memref_squeeze %dma_start3A_15 : memref<1x108x128xi32, #tpu.memory_space<hbm>> -> memref<108x128xi32, #tpu.memory_space<hbm>>
      %dma_start3A_17 = arith.constant 0 : i32
      %dma_start3A_18 = arith.constant 0 : i32
      %dma_start3A_19 = tpu.memref_slice %arg4[%add3A, %dma_start3A_17, %dma_start3A_18] : memref<32x108x128xi32, #tpu.memory_space<hbm>> -> memref<1x108x128xi32, #tpu.memory_space<hbm>>
      %dma_start3A_20 = tpu.memref_squeeze %dma_start3A_19 : memref<1x108x128xi32, #tpu.memory_space<hbm>> -> memref<108x128xi32, #tpu.memory_space<hbm>>
      tpu.enqueue_dma source(%dma_start3A_20 : memref<108x128xi32, #tpu.memory_space<hbm>>) target(%arg8 : memref<108x128xi32, #tpu.memory_space<vmem>>) target_semaphore(%run_scoped3A : memref<!tpu.dma_semaphore, #tpu.memory_space<semaphore_mem>>)
      %dma_wait3A = arith.constant 0 : i32
      %dma_wait3A_21 = arith.constant 0 : i32
      %dma_wait3A_22 = tpu.memref_slice %arg4[%add3A, %dma_wait3A, %dma_wait3A_21] : memref<32x108x128xi32, #tpu.memory_space<hbm>> -> memref<1x108x128xi32, #tpu.memory_space<hbm>>
      %dma_wait3A_23 = tpu.memref_squeeze %dma_wait3A_22 : memref<1x108x128xi32, #tpu.memory_space<hbm>> -> memref<108x128xi32, #tpu.memory_space<hbm>>
      %dma_wait3A_24 = arith.constant 0 : i32
      %dma_wait3A_25 = arith.constant 0 : i32
      %dma_wait3A_26 = tpu.memref_slice %arg4[%add3A, %dma_wait3A_24, %dma_wait3A_25] : memref<32x108x128xi32, #tpu.memory_space<hbm>> -> memref<1x108x128xi32, #tpu.memory_space<hbm>>
      %dma_wait3A_27 = tpu.memref_squeeze %dma_wait3A_26 : memref<1x108x128xi32, #tpu.memory_space<hbm>> -> memref<108x128xi32, #tpu.memory_space<hbm>>
      tpu.wait_dma2 semaphore(%run_scoped3A : memref<!tpu.dma_semaphore, #tpu.memory_space<semaphore_mem>>) src(%dma_wait3A_27 : memref<108x128xi32, #tpu.memory_space<hbm>>) dst(%arg8 : memref<108x128xi32, #tpu.memory_space<vmem>>)
      tpu.yield
    }) : () -> ()
    %barrier3A = arith.constant 0 : index
    tpu.barrier barrier_id(%barrier3A)
    %eq3A = arith.constant 0 : i32
    %eq3A_3 = arith.cmpi eq, %arg0, %eq3A : i32
    %convert_element_type3A = arith.extui %eq3A_3 : i1 to i32
    %cond3A = arith.constant 0 : i32
    %cond3A_4 = arith.cmpi ne, %convert_element_type3A, %cond3A : i32
    scf.if %cond3A_4 {
      %scan3A = arith.constant 0 : i32
      %scan3A_14 = arith.constant 0 : i32
      %scan3A_15 = arith.constant 108 : i32
      %scan3A_16 = arith.addi %scan3A_14, %scan3A_15 : i32
      %scan3A_17 = arith.constant 1 : i32
      scf.for %scan3A_19 = %scan3A_14 to %scan3A_16 step %scan3A_17  : i32 {
        %dma_start3A = arith.constant 0 : i32
        %dma_start3A_20 = tpu.memref_slice %arg7[%scan3A_19, %dma_start3A] : memref<108x128xi32, #tpu.memory_space<vmem>> -> memref<1x128xi32, #tpu.memory_space<vmem>>
        %dma_start3A_21 = tpu.memref_squeeze %dma_start3A_20 : memref<1x128xi32, #tpu.memory_space<vmem>> -> memref<128xi32, #tpu.memory_space<vmem>>
        %dma_start3A_22 = arith.constant 0 : i32
        %dma_start3A_23 = arith.constant 0 : i32
        %dma_start3A_24 = tpu.memref_slice %arg2[%dma_start3A_22, %dma_start3A_23] : memref<10240x128xf32, #tpu.memory_space<hbm>> -> memref<10240x128xf32, #tpu.memory_space<hbm>>
        tpu.enqueue_indirect_dma source(%dma_start3A_24 : memref<10240x128xf32, #tpu.memory_space<hbm>>) target(%arg9 : memref<128x128xf32, #tpu.memory_space<vmem>>) offsets(%dma_start3A_21 : memref<128xi32, #tpu.memory_space<vmem>>) semaphore(%arg10 : memref<!tpu.dma_semaphore, #tpu.memory_space<semaphore_mem>>)
        %dma_wait3A = arith.constant 0 : i32
        %dma_wait3A_25 = tpu.memref_slice %arg7[%scan3A_19, %dma_wait3A] : memref<108x128xi32, #tpu.memory_space<vmem>> -> memref<1x128xi32, #tpu.memory_space<vmem>>
        %dma_wait3A_26 = tpu.memref_squeeze %dma_wait3A_25 : memref<1x128xi32, #tpu.memory_space<vmem>> -> memref<128xi32, #tpu.memory_space<vmem>>
        %dma_wait3A_27 = arith.constant 0 : i32
        %dma_wait3A_28 = arith.constant 0 : i32
        %dma_wait3A_29 = tpu.memref_slice %arg2[%dma_wait3A_27, %dma_wait3A_28] : memref<10240x128xf32, #tpu.memory_space<hbm>> -> memref<10240x128xf32, #tpu.memory_space<hbm>>
        tpu.wait_indirect_dma semaphore(%arg10 : memref<!tpu.dma_semaphore, #tpu.memory_space<semaphore_mem>>) src(%dma_wait3A_29 : memref<10240x128xf32, #tpu.memory_space<hbm>>) dst(%arg9 : memref<128x128xf32, #tpu.memory_space<vmem>>)
        "tpu.region"() ({
          %run_scoped3A = tpu.sem_alloc : memref<!tpu.dma_semaphore, #tpu.memory_space<semaphore_mem>>
          %dma_start3A_30 = arith.constant 0 : i32
          %dma_start3A_31 = tpu.memref_slice %arg8[%scan3A_19, %dma_start3A_30] : memref<108x128xi32, #tpu.memory_space<vmem>> -> memref<1x128xi32, #tpu.memory_space<vmem>>
          %dma_start3A_32 = tpu.memref_squeeze %dma_start3A_31 : memref<1x128xi32, #tpu.memory_space<vmem>> -> memref<128xi32, #tpu.memory_space<vmem>>
          %dma_start3A_33 = arith.constant 0 : i32
          %dma_start3A_34 = arith.constant 0 : i32
          %dma_start3A_35 = tpu.memref_slice %arg11[%dma_start3A_33, %dma_start3A_34] : memref<10240x128xf32, #tpu.memory_space<vmem_shared>> -> memref<10240x128xf32, #tpu.memory_space<vmem_shared>>
          tpu.enqueue_indirect_dma source(%arg9 : memref<128x128xf32, #tpu.memory_space<vmem>>) target(%dma_start3A_35 : memref<10240x128xf32, #tpu.memory_space<vmem_shared>>) offsets(%dma_start3A_32 : memref<128xi32, #tpu.memory_space<vmem>>) semaphore(%run_scoped3A : memref<!tpu.dma_semaphore, #tpu.memory_space<semaphore_mem>>) {add = true}
          %dma_wait3A_36 = arith.constant 0 : i32
          %dma_wait3A_37 = tpu.memref_slice %arg8[%scan3A_19, %dma_wait3A_36] : memref<108x128xi32, #tpu.memory_space<vmem>> -> memref<1x128xi32, #tpu.memory_space<vmem>>
          %dma_wait3A_38 = tpu.memref_squeeze %dma_wait3A_37 : memref<1x128xi32, #tpu.memory_space<vmem>> -> memref<128xi32, #tpu.memory_space<vmem>>
          %dma_wait3A_39 = arith.constant 0 : i32
          %dma_wait3A_40 = arith.constant 0 : i32
          %dma_wait3A_41 = tpu.memref_slice %arg11[%dma_wait3A_39, %dma_wait3A_40] : memref<10240x128xf32, #tpu.memory_space<vmem_shared>> -> memref<10240x128xf32, #tpu.memory_space<vmem_shared>>
          tpu.wait_indirect_dma semaphore(%run_scoped3A : memref<!tpu.dma_semaphore, #tpu.memory_space<semaphore_mem>>) src(%arg9 : memref<128x128xf32, #tpu.memory_space<vmem>>) dst(%dma_wait3A_41 : memref<10240x128xf32, #tpu.memory_space<vmem_shared>>)
          tpu.yield
        }) : () -> ()
      }
      %scan3A_18 = arith.constant 108 : i32
    } else {
    }
    %ne3A = arith.constant 0 : i32
    %ne3A_5 = arith.cmpi ne, %arg0, %ne3A : i32
    %convert_element_type3A_6 = arith.extui %ne3A_5 : i1 to i32
    %cond3A_7 = arith.constant 0 : i32
    %cond3A_8 = arith.cmpi ne, %convert_element_type3A_6, %cond3A_7 : i32
    scf.if %cond3A_8 {
      %scan3A = arith.constant 0 : i32
      %scan3A_14 = arith.constant 0 : i32
      %scan3A_15 = arith.constant 50 : i32
      %scan3A_16 = arith.addi %scan3A_14, %scan3A_15 : i32
      %scan3A_17 = arith.constant 1 : i32
      scf.for %scan3A_19 = %scan3A_14 to %scan3A_16 step %scan3A_17  : i32 {
        %dma_start3A = arith.constant 0 : i32
        %dma_start3A_20 = tpu.memref_slice %arg7[%scan3A_19, %dma_start3A] : memref<108x128xi32, #tpu.memory_space<vmem>> -> memref<1x128xi32, #tpu.memory_space<vmem>>
        %dma_start3A_21 = tpu.memref_squeeze %dma_start3A_20 : memref<1x128xi32, #tpu.memory_space<vmem>> -> memref<128xi32, #tpu.memory_space<vmem>>
        %dma_start3A_22 = arith.constant 0 : i32
        %dma_start3A_23 = arith.constant 0 : i32
        %dma_start3A_24 = tpu.memref_slice %arg2[%dma_start3A_22, %dma_start3A_23] : memref<10240x128xf32, #tpu.memory_space<hbm>> -> memref<10240x128xf32, #tpu.memory_space<hbm>>
        tpu.enqueue_indirect_dma source(%dma_start3A_24 : memref<10240x128xf32, #tpu.memory_space<hbm>>) target(%arg9 : memref<128x128xf32, #tpu.memory_space<vmem>>) offsets(%dma_start3A_21 : memref<128xi32, #tpu.memory_space<vmem>>) semaphore(%arg10 : memref<!tpu.dma_semaphore, #tpu.memory_space<semaphore_mem>>)
        %dma_wait3A = arith.constant 0 : i32
        %dma_wait3A_25 = tpu.memref_slice %arg7[%scan3A_19, %dma_wait3A] : memref<108x128xi32, #tpu.memory_space<vmem>> -> memref<1x128xi32, #tpu.memory_space<vmem>>
        %dma_wait3A_26 = tpu.memref_squeeze %dma_wait3A_25 : memref<1x128xi32, #tpu.memory_space<vmem>> -> memref<128xi32, #tpu.memory_space<vmem>>
        %dma_wait3A_27 = arith.constant 0 : i32
        %dma_wait3A_28 = arith.constant 0 : i32
        %dma_wait3A_29 = tpu.memref_slice %arg2[%dma_wait3A_27, %dma_wait3A_28] : memref<10240x128xf32, #tpu.memory_space<hbm>> -> memref<10240x128xf32, #tpu.memory_space<hbm>>
        tpu.wait_indirect_dma semaphore(%arg10 : memref<!tpu.dma_semaphore, #tpu.memory_space<semaphore_mem>>) src(%dma_wait3A_29 : memref<10240x128xf32, #tpu.memory_space<hbm>>) dst(%arg9 : memref<128x128xf32, #tpu.memory_space<vmem>>)
        "tpu.region"() ({
          %run_scoped3A = tpu.sem_alloc : memref<!tpu.dma_semaphore, #tpu.memory_space<semaphore_mem>>
          %dma_start3A_30 = arith.constant 0 : i32
          %dma_start3A_31 = tpu.memref_slice %arg8[%scan3A_19, %dma_start3A_30] : memref<108x128xi32, #tpu.memory_space<vmem>> -> memref<1x128xi32, #tpu.memory_space<vmem>>
          %dma_start3A_32 = tpu.memref_squeeze %dma_start3A_31 : memref<1x128xi32, #tpu.memory_space<vmem>> -> memref<128xi32, #tpu.memory_space<vmem>>
          %dma_start3A_33 = arith.constant 0 : i32
          %dma_start3A_34 = arith.constant 0 : i32
          %dma_start3A_35 = tpu.memref_slice %arg11[%dma_start3A_33, %dma_start3A_34] : memref<10240x128xf32, #tpu.memory_space<vmem_shared>> -> memref<10240x128xf32, #tpu.memory_space<vmem_shared>>
          tpu.enqueue_indirect_dma source(%arg9 : memref<128x128xf32, #tpu.memory_space<vmem>>) target(%dma_start3A_35 : memref<10240x128xf32, #tpu.memory_space<vmem_shared>>) offsets(%dma_start3A_32 : memref<128xi32, #tpu.memory_space<vmem>>) semaphore(%run_scoped3A : memref<!tpu.dma_semaphore, #tpu.memory_space<semaphore_mem>>) {add = true}
          %dma_wait3A_36 = arith.constant 0 : i32
          %dma_wait3A_37 = tpu.memref_slice %arg8[%scan3A_19, %dma_wait3A_36] : memref<108x128xi32, #tpu.memory_space<vmem>> -> memref<1x128xi32, #tpu.memory_space<vmem>>
          %dma_wait3A_38 = tpu.memref_squeeze %dma_wait3A_37 : memref<1x128xi32, #tpu.memory_space<vmem>> -> memref<128xi32, #tpu.memory_space<vmem>>
          %dma_wait3A_39 = arith.constant 0 : i32
          %dma_wait3A_40 = arith.constant 0 : i32
          %dma_wait3A_41 = tpu.memref_slice %arg11[%dma_wait3A_39, %dma_wait3A_40] : memref<10240x128xf32, #tpu.memory_space<vmem_shared>> -> memref<10240x128xf32, #tpu.memory_space<vmem_shared>>
          tpu.wait_indirect_dma semaphore(%run_scoped3A : memref<!tpu.dma_semaphore, #tpu.memory_space<semaphore_mem>>) src(%arg9 : memref<128x128xf32, #tpu.memory_space<vmem>>) dst(%dma_wait3A_41 : memref<10240x128xf32, #tpu.memory_space<vmem_shared>>)
          tpu.yield
        }) : () -> ()
      }
      %scan3A_18 = arith.constant 50 : i32
    } else {
    }
    %barrier3A_9 = arith.constant 0 : index
    tpu.barrier barrier_id(%barrier3A_9)
    %mul3A_10 = arith.constant 640 : i32
    %mul3A_11 = arith.muli %arg1, %mul3A_10 : i32
    %mul3A_12 = arith.constant 640 : i32
    %mul3A_13 = arith.muli %arg1, %mul3A_12 : i32
    "tpu.region"() ({
      %run_scoped3A = tpu.sem_alloc : memref<!tpu.dma_semaphore, #tpu.memory_space<semaphore_mem>>
      %dma_start3A = arith.constant 0 : i32
      %dma_start3A_14 = tpu.memref_slice %arg6[%arg0, %mul3A_13, %dma_start3A] : memref<2x10240x128xf32, #tpu.memory_space<hbm>> -> memref<1x640x128xf32, #tpu.memory_space<hbm>>
      %dma_start3A_15 = tpu.memref_squeeze %dma_start3A_14 : memref<1x640x128xf32, #tpu.memory_space<hbm>> -> memref<640x128xf32, #tpu.memory_space<hbm>>
      %dma_start3A_16 = arith.constant 0 : i32
      %dma_start3A_17 = tpu.memref_slice %arg11[%mul3A_11, %dma_start3A_16] : memref<10240x128xf32, #tpu.memory_space<vmem_shared>> -> memref<640x128xf32, #tpu.memory_space<vmem_shared>>
      tpu.enqueue_dma source(%dma_start3A_17 : memref<640x128xf32, #tpu.memory_space<vmem_shared>>) target(%dma_start3A_15 : memref<640x128xf32, #tpu.memory_space<hbm>>) target_semaphore(%run_scoped3A : memref<!tpu.dma_semaphore, #tpu.memory_space<semaphore_mem>>)
      %dma_wait3A = arith.constant 0 : i32
      %dma_wait3A_18 = tpu.memref_slice %arg6[%arg0, %mul3A_13, %dma_wait3A] : memref<2x10240x128xf32, #tpu.memory_space<hbm>> -> memref<1x640x128xf32, #tpu.memory_space<hbm>>
      %dma_wait3A_19 = tpu.memref_squeeze %dma_wait3A_18 : memref<1x640x128xf32, #tpu.memory_space<hbm>> -> memref<640x128xf32, #tpu.memory_space<hbm>>
      %dma_wait3A_20 = arith.constant 0 : i32
      %dma_wait3A_21 = tpu.memref_slice %arg11[%mul3A_11, %dma_wait3A_20] : memref<10240x128xf32, #tpu.memory_space<vmem_shared>> -> memref<640x128xf32, #tpu.memory_space<vmem_shared>>
      tpu.wait_dma2 semaphore(%run_scoped3A : memref<!tpu.dma_semaphore, #tpu.memory_space<semaphore_mem>>) src(%dma_wait3A_21 : memref<640x128xf32, #tpu.memory_space<vmem_shared>>) dst(%dma_wait3A_19 : memref<640x128xf32, #tpu.memory_space<hbm>>)
      tpu.yield
    }) : () -> ()
    return
  }
}

#map = affine_map<(d0, d1) -> (0, 0, 0)>
#map1 = affine_map<(d0, d1) -> (0)>
#map2 = affine_map<(d0, d1) -> (0, 0)>
module attributes {stable_mosaic.version = 14 : i64} {
  func.func @_deg_kernel(%arg0: i32, %arg1: i32, %arg2: memref<32x108x128xi32, #tpu.memory_space<hbm>>, %arg3: memref<10240xf32, #tpu.memory_space<hbm>>, %arg4: memref<32x10240xf32, #tpu.memory_space<hbm>>, %arg5: memref<108x128xi32, #tpu.memory_space<vmem>>, %arg6: memref<10240xf32, #tpu.memory_space<vmem>>) attributes {dimension_semantics = [#tpu.dimension_semantics<core_parallel>, #tpu.dimension_semantics<subcore_parallel>], iteration_bounds = array<i64: 2, 16>, scalar_prefetch = 0 : i64, scratch_operands = 2 : i64, tpu.core_type = #tpu.core_type<sc_vector_subcore>, window_params = [{transform_indices = #map}, {transform_indices = #map1}, {transform_indices = #map2}]} {
    %mul3A = arith.constant 16 : i32
    %mul3A_0 = arith.muli %arg0, %mul3A : i32
    %add3A = arith.addi %mul3A_0, %arg1 : i32
    "tpu.region"() ({
      %run_scoped3A = tpu.sem_alloc : memref<!tpu.dma_semaphore, #tpu.memory_space<semaphore_mem>>
      tpu.enqueue_dma source(%arg3 : memref<10240xf32, #tpu.memory_space<hbm>>) target(%arg6 : memref<10240xf32, #tpu.memory_space<vmem>>) target_semaphore(%run_scoped3A : memref<!tpu.dma_semaphore, #tpu.memory_space<semaphore_mem>>)
      tpu.wait_dma2 semaphore(%run_scoped3A : memref<!tpu.dma_semaphore, #tpu.memory_space<semaphore_mem>>) src(%arg3 : memref<10240xf32, #tpu.memory_space<hbm>>) dst(%arg6 : memref<10240xf32, #tpu.memory_space<vmem>>)
      tpu.yield
    }) : () -> ()
    "tpu.region"() ({
      %run_scoped3A = tpu.sem_alloc : memref<!tpu.dma_semaphore, #tpu.memory_space<semaphore_mem>>
      %dma_start3A = arith.constant 0 : i32
      %dma_start3A_8 = arith.constant 0 : i32
      %dma_start3A_9 = tpu.memref_slice %arg2[%add3A, %dma_start3A, %dma_start3A_8] : memref<32x108x128xi32, #tpu.memory_space<hbm>> -> memref<1x108x128xi32, #tpu.memory_space<hbm>>
      %dma_start3A_10 = tpu.memref_squeeze %dma_start3A_9 : memref<1x108x128xi32, #tpu.memory_space<hbm>> -> memref<108x128xi32, #tpu.memory_space<hbm>>
      %dma_start3A_11 = arith.constant 0 : i32
      %dma_start3A_12 = arith.constant 0 : i32
      %dma_start3A_13 = tpu.memref_slice %arg2[%add3A, %dma_start3A_11, %dma_start3A_12] : memref<32x108x128xi32, #tpu.memory_space<hbm>> -> memref<1x108x128xi32, #tpu.memory_space<hbm>>
      %dma_start3A_14 = tpu.memref_squeeze %dma_start3A_13 : memref<1x108x128xi32, #tpu.memory_space<hbm>> -> memref<108x128xi32, #tpu.memory_space<hbm>>
      tpu.enqueue_dma source(%dma_start3A_14 : memref<108x128xi32, #tpu.memory_space<hbm>>) target(%arg5 : memref<108x128xi32, #tpu.memory_space<vmem>>) target_semaphore(%run_scoped3A : memref<!tpu.dma_semaphore, #tpu.memory_space<semaphore_mem>>)
      %dma_wait3A = arith.constant 0 : i32
      %dma_wait3A_15 = arith.constant 0 : i32
      %dma_wait3A_16 = tpu.memref_slice %arg2[%add3A, %dma_wait3A, %dma_wait3A_15] : memref<32x108x128xi32, #tpu.memory_space<hbm>> -> memref<1x108x128xi32, #tpu.memory_space<hbm>>
      %dma_wait3A_17 = tpu.memref_squeeze %dma_wait3A_16 : memref<1x108x128xi32, #tpu.memory_space<hbm>> -> memref<108x128xi32, #tpu.memory_space<hbm>>
      %dma_wait3A_18 = arith.constant 0 : i32
      %dma_wait3A_19 = arith.constant 0 : i32
      %dma_wait3A_20 = tpu.memref_slice %arg2[%add3A, %dma_wait3A_18, %dma_wait3A_19] : memref<32x108x128xi32, #tpu.memory_space<hbm>> -> memref<1x108x128xi32, #tpu.memory_space<hbm>>
      %dma_wait3A_21 = tpu.memref_squeeze %dma_wait3A_20 : memref<1x108x128xi32, #tpu.memory_space<hbm>> -> memref<108x128xi32, #tpu.memory_space<hbm>>
      tpu.wait_dma2 semaphore(%run_scoped3A : memref<!tpu.dma_semaphore, #tpu.memory_space<semaphore_mem>>) src(%dma_wait3A_21 : memref<108x128xi32, #tpu.memory_space<hbm>>) dst(%arg5 : memref<108x128xi32, #tpu.memory_space<vmem>>)
      tpu.yield
    }) : () -> ()
    %broadcast_in_dim3A = arith.constant 1.000000e+00 : f32
    %broadcast_in_dim3A_1 = vector.broadcast %broadcast_in_dim3A : f32 to vector<16xf32>
    %eq3A = arith.constant 0 : i32
    %eq3A_2 = arith.cmpi eq, %arg0, %eq3A : i32
    %convert_element_type3A = arith.extui %eq3A_2 : i1 to i32
    %cond3A = arith.constant 0 : i32
    %cond3A_3 = arith.cmpi ne, %convert_element_type3A, %cond3A : i32
    scf.if %cond3A_3 {
      %scan3A = arith.constant 0 : i32
      %scan3A_8 = arith.constant 0 : i32
      %scan3A_9 = arith.constant 108 : i32
      %scan3A_10 = arith.addi %scan3A_8, %scan3A_9 : i32
      %scan3A_11 = arith.constant 1 : i32
      scf.for %scan3A_13 = %scan3A_8 to %scan3A_10 step %scan3A_11  : i32 {
        %get3A = arith.index_cast %scan3A_13 : i32 to index
        %get3A_14 = arith.constant 0 : index
        %get3A_15 = tpu.vector_load %arg5[%get3A, %get3A_14] {strides = array<i32>} : memref<108x128xi32, #tpu.memory_space<vmem>>, vector<16xi32>,
        tpu.vector_store_idx %arg6[%get3A_15], %broadcast_in_dim3A_1 {add = true} : memref<10240xf32, #tpu.memory_space<vmem>>[vector<16xi32>], vector<16xf32>,
        %get3A_16 = arith.index_cast %scan3A_13 : i32 to index
        %get3A_17 = arith.constant 16 : index
        %get3A_18 = tpu.vector_load %arg5[%get3A_16, %get3A_17] {strides = array<i32>} : memref<108x128xi32, #tpu.memory_space<vmem>>, vector<16xi32>,
        tpu.vector_store_idx %arg6[%get3A_18], %broadcast_in_dim3A_1 {add = true} : memref<10240xf32, #tpu.memory_space<vmem>>[vector<16xi32>], vector<16xf32>,
        %get3A_19 = arith.index_cast %scan3A_13 : i32 to index
        %get3A_20 = arith.constant 32 : index
        %get3A_21 = tpu.vector_load %arg5[%get3A_19, %get3A_20] {strides = array<i32>} : memref<108x128xi32, #tpu.memory_space<vmem>>, vector<16xi32>,
        tpu.vector_store_idx %arg6[%get3A_21], %broadcast_in_dim3A_1 {add = true} : memref<10240xf32, #tpu.memory_space<vmem>>[vector<16xi32>], vector<16xf32>,
        %get3A_22 = arith.index_cast %scan3A_13 : i32 to index
        %get3A_23 = arith.constant 48 : index
        %get3A_24 = tpu.vector_load %arg5[%get3A_22, %get3A_23] {strides = array<i32>} : memref<108x128xi32, #tpu.memory_space<vmem>>, vector<16xi32>,
        tpu.vector_store_idx %arg6[%get3A_24], %broadcast_in_dim3A_1 {add = true} : memref<10240xf32, #tpu.memory_space<vmem>>[vector<16xi32>], vector<16xf32>,
        %get3A_25 = arith.index_cast %scan3A_13 : i32 to index
        %get3A_26 = arith.constant 64 : index
        %get3A_27 = tpu.vector_load %arg5[%get3A_25, %get3A_26] {strides = array<i32>} : memref<108x128xi32, #tpu.memory_space<vmem>>, vector<16xi32>,
        tpu.vector_store_idx %arg6[%get3A_27], %broadcast_in_dim3A_1 {add = true} : memref<10240xf32, #tpu.memory_space<vmem>>[vector<16xi32>], vector<16xf32>,
        %get3A_28 = arith.index_cast %scan3A_13 : i32 to index
        %get3A_29 = arith.constant 80 : index
        %get3A_30 = tpu.vector_load %arg5[%get3A_28, %get3A_29] {strides = array<i32>} : memref<108x128xi32, #tpu.memory_space<vmem>>, vector<16xi32>,
        tpu.vector_store_idx %arg6[%get3A_30], %broadcast_in_dim3A_1 {add = true} : memref<10240xf32, #tpu.memory_space<vmem>>[vector<16xi32>], vector<16xf32>,
        %get3A_31 = arith.index_cast %scan3A_13 : i32 to index
        %get3A_32 = arith.constant 96 : index
        %get3A_33 = tpu.vector_load %arg5[%get3A_31, %get3A_32] {strides = array<i32>} : memref<108x128xi32, #tpu.memory_space<vmem>>, vector<16xi32>,
        tpu.vector_store_idx %arg6[%get3A_33], %broadcast_in_dim3A_1 {add = true} : memref<10240xf32, #tpu.memory_space<vmem>>[vector<16xi32>], vector<16xf32>,
        %get3A_34 = arith.index_cast %scan3A_13 : i32 to index
        %get3A_35 = arith.constant 112 : index
        %get3A_36 = tpu.vector_load %arg5[%get3A_34, %get3A_35] {strides = array<i32>} : memref<108x128xi32, #tpu.memory_space<vmem>>, vector<16xi32>,
        tpu.vector_store_idx %arg6[%get3A_36], %broadcast_in_dim3A_1 {add = true} : memref<10240xf32, #tpu.memory_space<vmem>>[vector<16xi32>], vector<16xf32>,
      }
      %scan3A_12 = arith.constant 108 : i32
    } else {
    }
    %ne3A = arith.constant 0 : i32
    %ne3A_4 = arith.cmpi ne, %arg0, %ne3A : i32
    %convert_element_type3A_5 = arith.extui %ne3A_4 : i1 to i32
    %cond3A_6 = arith.constant 0 : i32
    %cond3A_7 = arith.cmpi ne, %convert_element_type3A_5, %cond3A_6 : i32
    scf.if %cond3A_7 {
      %scan3A = arith.constant 0 : i32
      %scan3A_8 = arith.constant 0 : i32
      %scan3A_9 = arith.constant 50 : i32
      %scan3A_10 = arith.addi %scan3A_8, %scan3A_9 : i32
      %scan3A_11 = arith.constant 1 : i32
      scf.for %scan3A_13 = %scan3A_8 to %scan3A_10 step %scan3A_11  : i32 {
        %get3A = arith.index_cast %scan3A_13 : i32 to index
        %get3A_14 = arith.constant 0 : index
        %get3A_15 = tpu.vector_load %arg5[%get3A, %get3A_14] {strides = array<i32>} : memref<108x128xi32, #tpu.memory_space<vmem>>, vector<16xi32>,
        tpu.vector_store_idx %arg6[%get3A_15], %broadcast_in_dim3A_1 {add = true} : memref<10240xf32, #tpu.memory_space<vmem>>[vector<16xi32>], vector<16xf32>,
        %get3A_16 = arith.index_cast %scan3A_13 : i32 to index
        %get3A_17 = arith.constant 16 : index
        %get3A_18 = tpu.vector_load %arg5[%get3A_16, %get3A_17] {strides = array<i32>} : memref<108x128xi32, #tpu.memory_space<vmem>>, vector<16xi32>,
        tpu.vector_store_idx %arg6[%get3A_18], %broadcast_in_dim3A_1 {add = true} : memref<10240xf32, #tpu.memory_space<vmem>>[vector<16xi32>], vector<16xf32>,
        %get3A_19 = arith.index_cast %scan3A_13 : i32 to index
        %get3A_20 = arith.constant 32 : index
        %get3A_21 = tpu.vector_load %arg5[%get3A_19, %get3A_20] {strides = array<i32>} : memref<108x128xi32, #tpu.memory_space<vmem>>, vector<16xi32>,
        tpu.vector_store_idx %arg6[%get3A_21], %broadcast_in_dim3A_1 {add = true} : memref<10240xf32, #tpu.memory_space<vmem>>[vector<16xi32>], vector<16xf32>,
        %get3A_22 = arith.index_cast %scan3A_13 : i32 to index
        %get3A_23 = arith.constant 48 : index
        %get3A_24 = tpu.vector_load %arg5[%get3A_22, %get3A_23] {strides = array<i32>} : memref<108x128xi32, #tpu.memory_space<vmem>>, vector<16xi32>,
        tpu.vector_store_idx %arg6[%get3A_24], %broadcast_in_dim3A_1 {add = true} : memref<10240xf32, #tpu.memory_space<vmem>>[vector<16xi32>], vector<16xf32>,
        %get3A_25 = arith.index_cast %scan3A_13 : i32 to index
        %get3A_26 = arith.constant 64 : index
        %get3A_27 = tpu.vector_load %arg5[%get3A_25, %get3A_26] {strides = array<i32>} : memref<108x128xi32, #tpu.memory_space<vmem>>, vector<16xi32>,
        tpu.vector_store_idx %arg6[%get3A_27], %broadcast_in_dim3A_1 {add = true} : memref<10240xf32, #tpu.memory_space<vmem>>[vector<16xi32>], vector<16xf32>,
        %get3A_28 = arith.index_cast %scan3A_13 : i32 to index
        %get3A_29 = arith.constant 80 : index
        %get3A_30 = tpu.vector_load %arg5[%get3A_28, %get3A_29] {strides = array<i32>} : memref<108x128xi32, #tpu.memory_space<vmem>>, vector<16xi32>,
        tpu.vector_store_idx %arg6[%get3A_30], %broadcast_in_dim3A_1 {add = true} : memref<10240xf32, #tpu.memory_space<vmem>>[vector<16xi32>], vector<16xf32>,
        %get3A_31 = arith.index_cast %scan3A_13 : i32 to index
        %get3A_32 = arith.constant 96 : index
        %get3A_33 = tpu.vector_load %arg5[%get3A_31, %get3A_32] {strides = array<i32>} : memref<108x128xi32, #tpu.memory_space<vmem>>, vector<16xi32>,
        tpu.vector_store_idx %arg6[%get3A_33], %broadcast_in_dim3A_1 {add = true} : memref<10240xf32, #tpu.memory_space<vmem>>[vector<16xi32>], vector<16xf32>,
        %get3A_34 = arith.index_cast %scan3A_13 : i32 to index
        %get3A_35 = arith.constant 112 : index
        %get3A_36 = tpu.vector_load %arg5[%get3A_34, %get3A_35] {strides = array<i32>} : memref<108x128xi32, #tpu.memory_space<vmem>>, vector<16xi32>,
        tpu.vector_store_idx %arg6[%get3A_36], %broadcast_in_dim3A_1 {add = true} : memref<10240xf32, #tpu.memory_space<vmem>>[vector<16xi32>], vector<16xf32>,
      }
      %scan3A_12 = arith.constant 50 : i32
    } else {
    }
    "tpu.region"() ({
      %run_scoped3A = tpu.sem_alloc : memref<!tpu.dma_semaphore, #tpu.memory_space<semaphore_mem>>
      %dma_start3A = arith.constant 0 : i32
      %dma_start3A_8 = tpu.memref_slice %arg4[%add3A, %dma_start3A] : memref<32x10240xf32, #tpu.memory_space<hbm>> -> memref<1x10240xf32, #tpu.memory_space<hbm>>
      %dma_start3A_9 = tpu.memref_squeeze %dma_start3A_8 : memref<1x10240xf32, #tpu.memory_space<hbm>> -> memref<10240xf32, #tpu.memory_space<hbm>>
      %dma_start3A_10 = arith.constant 0 : i32
      %dma_start3A_11 = tpu.memref_slice %arg4[%add3A, %dma_start3A_10] : memref<32x10240xf32, #tpu.memory_space<hbm>> -> memref<1x10240xf32, #tpu.memory_space<hbm>>
      %dma_start3A_12 = tpu.memref_squeeze %dma_start3A_11 : memref<1x10240xf32, #tpu.memory_space<hbm>> -> memref<10240xf32, #tpu.memory_space<hbm>>
      tpu.enqueue_dma source(%arg6 : memref<10240xf32, #tpu.memory_space<vmem>>) target(%dma_start3A_12 : memref<10240xf32, #tpu.memory_space<hbm>>) target_semaphore(%run_scoped3A : memref<!tpu.dma_semaphore, #tpu.memory_space<semaphore_mem>>)
      %dma_wait3A = arith.constant 0 : i32
      %dma_wait3A_13 = tpu.memref_slice %arg4[%add3A, %dma_wait3A] : memref<32x10240xf32, #tpu.memory_space<hbm>> -> memref<1x10240xf32, #tpu.memory_space<hbm>>
      %dma_wait3A_14 = tpu.memref_squeeze %dma_wait3A_13 : memref<1x10240xf32, #tpu.memory_space<hbm>> -> memref<10240xf32, #tpu.memory_space<hbm>>
      %dma_wait3A_15 = arith.constant 0 : i32
      %dma_wait3A_16 = tpu.memref_slice %arg4[%add3A, %dma_wait3A_15] : memref<32x10240xf32, #tpu.memory_space<hbm>> -> memref<1x10240xf32, #tpu.memory_space<hbm>>
      %dma_wait3A_17 = tpu.memref_squeeze %dma_wait3A_16 : memref<1x10240xf32, #tpu.memory_space<hbm>> -> memref<10240xf32, #tpu.memory_space<hbm>>
      tpu.wait_dma2 semaphore(%run_scoped3A : memref<!tpu.dma_semaphore, #tpu.memory_space<semaphore_mem>>) src(%arg6 : memref<10240xf32, #tpu.memory_space<vmem>>) dst(%dma_wait3A_17 : memref<10240xf32, #tpu.memory_space<hbm>>)
      tpu.yield
    }) : () -> ()
    return
  }
}

#map = affine_map<(d0, d1) -> (0, 0)>
#map1 = affine_map<(d0, d1) -> (0, 0, 0)>
module attributes {stable_mosaic.version = 14 : i64} {
  func.func @_msg_kernel(%arg0: i32, %arg1: i32, %arg2: memref<10240x128xf32, #tpu.memory_space<hbm>>, %arg3: memref<32x108x128xi32, #tpu.memory_space<hbm>>, %arg4: memref<32x108x128xi32, #tpu.memory_space<hbm>>, %arg5: memref<640x128xf32, #tpu.memory_space<hbm>>, %arg6: memref<2x10240x128xf32, #tpu.memory_space<hbm>>, %arg7: memref<108x128xi32, #tpu.memory_space<vmem>>, %arg8: memref<108x128xi32, #tpu.memory_space<vmem>>, %arg9: memref<128x128xf32, #tpu.memory_space<vmem>>, %arg10: memref<!tpu.dma_semaphore, #tpu.memory_space<semaphore_mem>>, %arg11: memref<10240x128xf32, #tpu.memory_space<vmem_shared>>) attributes {dimension_semantics = [#tpu.dimension_semantics<core_parallel>, #tpu.dimension_semantics<subcore_parallel>], iteration_bounds = array<i64: 2, 16>, scalar_prefetch = 0 : i64, scratch_operands = 5 : i64, tpu.core_type = #tpu.core_type<sc_vector_subcore>, window_params = [{transform_indices = #map}, {transform_indices = #map1}, {transform_indices = #map1}, {transform_indices = #map}, {transform_indices = #map1}]} {
    %mul3A = arith.constant 16 : i32
    %mul3A_0 = arith.muli %arg0, %mul3A : i32
    %add3A = arith.addi %mul3A_0, %arg1 : i32
    %mul3A_1 = arith.constant 640 : i32
    %mul3A_2 = arith.muli %arg1, %mul3A_1 : i32
    "tpu.region"() ({
      %run_scoped3A = tpu.sem_alloc : memref<!tpu.dma_semaphore, #tpu.memory_space<semaphore_mem>>
      %dma_start3A = arith.constant 0 : i32
      %dma_start3A_14 = tpu.memref_slice %arg11[%mul3A_2, %dma_start3A] : memref<10240x128xf32, #tpu.memory_space<vmem_shared>> -> memref<640x128xf32, #tpu.memory_space<vmem_shared>>
      tpu.enqueue_dma source(%arg5 : memref<640x128xf32, #tpu.memory_space<hbm>>) target(%dma_start3A_14 : memref<640x128xf32, #tpu.memory_space<vmem_shared>>) target_semaphore(%run_scoped3A : memref<!tpu.dma_semaphore, #tpu.memory_space<semaphore_mem>>)
      %dma_wait3A = arith.constant 0 : i32
      %dma_wait3A_15 = tpu.memref_slice %arg11[%mul3A_2, %dma_wait3A] : memref<10240x128xf32, #tpu.memory_space<vmem_shared>> -> memref<640x128xf32, #tpu.memory_space<vmem_shared>>
      tpu.wait_dma2 semaphore(%run_scoped3A : memref<!tpu.dma_semaphore, #tpu.memory_space<semaphore_mem>>) src(%arg5 : memref<640x128xf32, #tpu.memory_space<hbm>>) dst(%dma_wait3A_15 : memref<640x128xf32, #tpu.memory_space<vmem_shared>>)
      tpu.yield
    }) : () -> ()
    "tpu.region"() ({
      %run_scoped3A = tpu.sem_alloc : memref<!tpu.dma_semaphore, #tpu.memory_space<semaphore_mem>>
      %dma_start3A = arith.constant 0 : i32
      %dma_start3A_14 = arith.constant 0 : i32
      %dma_start3A_15 = tpu.memref_slice %arg3[%add3A, %dma_start3A, %dma_start3A_14] : memref<32x108x128xi32, #tpu.memory_space<hbm>> -> memref<1x108x128xi32, #tpu.memory_space<hbm>>
      %dma_start3A_16 = tpu.memref_squeeze %dma_start3A_15 : memref<1x108x128xi32, #tpu.memory_space<hbm>> -> memref<108x128xi32, #tpu.memory_space<hbm>>
      %dma_start3A_17 = arith.constant 0 : i32
      %dma_start3A_18 = arith.constant 0 : i32
      %dma_start3A_19 = tpu.memref_slice %arg3[%add3A, %dma_start3A_17, %dma_start3A_18] : memref<32x108x128xi32, #tpu.memory_space<hbm>> -> memref<1x108x128xi32, #tpu.memory_space<hbm>>
      %dma_start3A_20 = tpu.memref_squeeze %dma_start3A_19 : memref<1x108x128xi32, #tpu.memory_space<hbm>> -> memref<108x128xi32, #tpu.memory_space<hbm>>
      tpu.enqueue_dma source(%dma_start3A_20 : memref<108x128xi32, #tpu.memory_space<hbm>>) target(%arg7 : memref<108x128xi32, #tpu.memory_space<vmem>>) target_semaphore(%run_scoped3A : memref<!tpu.dma_semaphore, #tpu.memory_space<semaphore_mem>>)
      %dma_wait3A = arith.constant 0 : i32
      %dma_wait3A_21 = arith.constant 0 : i32
      %dma_wait3A_22 = tpu.memref_slice %arg3[%add3A, %dma_wait3A, %dma_wait3A_21] : memref<32x108x128xi32, #tpu.memory_space<hbm>> -> memref<1x108x128xi32, #tpu.memory_space<hbm>>
      %dma_wait3A_23 = tpu.memref_squeeze %dma_wait3A_22 : memref<1x108x128xi32, #tpu.memory_space<hbm>> -> memref<108x128xi32, #tpu.memory_space<hbm>>
      %dma_wait3A_24 = arith.constant 0 : i32
      %dma_wait3A_25 = arith.constant 0 : i32
      %dma_wait3A_26 = tpu.memref_slice %arg3[%add3A, %dma_wait3A_24, %dma_wait3A_25] : memref<32x108x128xi32, #tpu.memory_space<hbm>> -> memref<1x108x128xi32, #tpu.memory_space<hbm>>
      %dma_wait3A_27 = tpu.memref_squeeze %dma_wait3A_26 : memref<1x108x128xi32, #tpu.memory_space<hbm>> -> memref<108x128xi32, #tpu.memory_space<hbm>>
      tpu.wait_dma2 semaphore(%run_scoped3A : memref<!tpu.dma_semaphore, #tpu.memory_space<semaphore_mem>>) src(%dma_wait3A_27 : memref<108x128xi32, #tpu.memory_space<hbm>>) dst(%arg7 : memref<108x128xi32, #tpu.memory_space<vmem>>)
      tpu.yield
    }) : () -> ()
    "tpu.region"() ({
      %run_scoped3A = tpu.sem_alloc : memref<!tpu.dma_semaphore, #tpu.memory_space<semaphore_mem>>
      %dma_start3A = arith.constant 0 : i32
      %dma_start3A_14 = arith.constant 0 : i32
      %dma_start3A_15 = tpu.memref_slice %arg4[%add3A, %dma_start3A, %dma_start3A_14] : memref<32x108x128xi32, #tpu.memory_space<hbm>> -> memref<1x108x128xi32, #tpu.memory_space<hbm>>
      %dma_start3A_16 = tpu.memref_squeeze %dma_start3A_15 : memref<1x108x128xi32, #tpu.memory_space<hbm>> -> memref<108x128xi32, #tpu.memory_space<hbm>>
      %dma_start3A_17 = arith.constant 0 : i32
      %dma_start3A_18 = arith.constant 0 : i32
      %dma_start3A_19 = tpu.memref_slice %arg4[%add3A, %dma_start3A_17, %dma_start3A_18] : memref<32x108x128xi32, #tpu.memory_space<hbm>> -> memref<1x108x128xi32, #tpu.memory_space<hbm>>
      %dma_start3A_20 = tpu.memref_squeeze %dma_start3A_19 : memref<1x108x128xi32, #tpu.memory_space<hbm>> -> memref<108x128xi32, #tpu.memory_space<hbm>>
      tpu.enqueue_dma source(%dma_start3A_20 : memref<108x128xi32, #tpu.memory_space<hbm>>) target(%arg8 : memref<108x128xi32, #tpu.memory_space<vmem>>) target_semaphore(%run_scoped3A : memref<!tpu.dma_semaphore, #tpu.memory_space<semaphore_mem>>)
      %dma_wait3A = arith.constant 0 : i32
      %dma_wait3A_21 = arith.constant 0 : i32
      %dma_wait3A_22 = tpu.memref_slice %arg4[%add3A, %dma_wait3A, %dma_wait3A_21] : memref<32x108x128xi32, #tpu.memory_space<hbm>> -> memref<1x108x128xi32, #tpu.memory_space<hbm>>
      %dma_wait3A_23 = tpu.memref_squeeze %dma_wait3A_22 : memref<1x108x128xi32, #tpu.memory_space<hbm>> -> memref<108x128xi32, #tpu.memory_space<hbm>>
      %dma_wait3A_24 = arith.constant 0 : i32
      %dma_wait3A_25 = arith.constant 0 : i32
      %dma_wait3A_26 = tpu.memref_slice %arg4[%add3A, %dma_wait3A_24, %dma_wait3A_25] : memref<32x108x128xi32, #tpu.memory_space<hbm>> -> memref<1x108x128xi32, #tpu.memory_space<hbm>>
      %dma_wait3A_27 = tpu.memref_squeeze %dma_wait3A_26 : memref<1x108x128xi32, #tpu.memory_space<hbm>> -> memref<108x128xi32, #tpu.memory_space<hbm>>
      tpu.wait_dma2 semaphore(%run_scoped3A : memref<!tpu.dma_semaphore, #tpu.memory_space<semaphore_mem>>) src(%dma_wait3A_27 : memref<108x128xi32, #tpu.memory_space<hbm>>) dst(%arg8 : memref<108x128xi32, #tpu.memory_space<vmem>>)
      tpu.yield
    }) : () -> ()
    %barrier3A = arith.constant 0 : index
    tpu.barrier barrier_id(%barrier3A)
    %eq3A = arith.constant 0 : i32
    %eq3A_3 = arith.cmpi eq, %arg0, %eq3A : i32
    %convert_element_type3A = arith.extui %eq3A_3 : i1 to i32
    %cond3A = arith.constant 0 : i32
    %cond3A_4 = arith.cmpi ne, %convert_element_type3A, %cond3A : i32
    scf.if %cond3A_4 {
      %scan3A = arith.constant 0 : i32
      %scan3A_14 = arith.constant 0 : i32
      %scan3A_15 = arith.constant 108 : i32
      %scan3A_16 = arith.addi %scan3A_14, %scan3A_15 : i32
      %scan3A_17 = arith.constant 1 : i32
      scf.for %scan3A_19 = %scan3A_14 to %scan3A_16 step %scan3A_17  : i32 {
        %dma_start3A = arith.constant 0 : i32
        %dma_start3A_20 = tpu.memref_slice %arg7[%scan3A_19, %dma_start3A] : memref<108x128xi32, #tpu.memory_space<vmem>> -> memref<1x128xi32, #tpu.memory_space<vmem>>
        %dma_start3A_21 = tpu.memref_squeeze %dma_start3A_20 : memref<1x128xi32, #tpu.memory_space<vmem>> -> memref<128xi32, #tpu.memory_space<vmem>>
        %dma_start3A_22 = arith.constant 0 : i32
        %dma_start3A_23 = arith.constant 0 : i32
        %dma_start3A_24 = tpu.memref_slice %arg2[%dma_start3A_22, %dma_start3A_23] : memref<10240x128xf32, #tpu.memory_space<hbm>> -> memref<10240x128xf32, #tpu.memory_space<hbm>>
        tpu.enqueue_indirect_dma source(%dma_start3A_24 : memref<10240x128xf32, #tpu.memory_space<hbm>>) target(%arg9 : memref<128x128xf32, #tpu.memory_space<vmem>>) offsets(%dma_start3A_21 : memref<128xi32, #tpu.memory_space<vmem>>) semaphore(%arg10 : memref<!tpu.dma_semaphore, #tpu.memory_space<semaphore_mem>>)
        %dma_wait3A = arith.constant 0 : i32
        %dma_wait3A_25 = tpu.memref_slice %arg7[%scan3A_19, %dma_wait3A] : memref<108x128xi32, #tpu.memory_space<vmem>> -> memref<1x128xi32, #tpu.memory_space<vmem>>
        %dma_wait3A_26 = tpu.memref_squeeze %dma_wait3A_25 : memref<1x128xi32, #tpu.memory_space<vmem>> -> memref<128xi32, #tpu.memory_space<vmem>>
        %dma_wait3A_27 = arith.constant 0 : i32
        %dma_wait3A_28 = arith.constant 0 : i32
        %dma_wait3A_29 = tpu.memref_slice %arg2[%dma_wait3A_27, %dma_wait3A_28] : memref<10240x128xf32, #tpu.memory_space<hbm>> -> memref<10240x128xf32, #tpu.memory_space<hbm>>
        tpu.wait_indirect_dma semaphore(%arg10 : memref<!tpu.dma_semaphore, #tpu.memory_space<semaphore_mem>>) src(%dma_wait3A_29 : memref<10240x128xf32, #tpu.memory_space<hbm>>) dst(%arg9 : memref<128x128xf32, #tpu.memory_space<vmem>>)
        "tpu.region"() ({
          %run_scoped3A = tpu.sem_alloc : memref<!tpu.dma_semaphore, #tpu.memory_space<semaphore_mem>>
          %dma_start3A_30 = arith.constant 0 : i32
          %dma_start3A_31 = tpu.memref_slice %arg8[%scan3A_19, %dma_start3A_30] : memref<108x128xi32, #tpu.memory_space<vmem>> -> memref<1x128xi32, #tpu.memory_space<vmem>>
          %dma_start3A_32 = tpu.memref_squeeze %dma_start3A_31 : memref<1x128xi32, #tpu.memory_space<vmem>> -> memref<128xi32, #tpu.memory_space<vmem>>
          %dma_start3A_33 = arith.constant 0 : i32
          %dma_start3A_34 = arith.constant 0 : i32
          %dma_start3A_35 = tpu.memref_slice %arg11[%dma_start3A_33, %dma_start3A_34] : memref<10240x128xf32, #tpu.memory_space<vmem_shared>> -> memref<10240x128xf32, #tpu.memory_space<vmem_shared>>
          tpu.enqueue_indirect_dma source(%arg9 : memref<128x128xf32, #tpu.memory_space<vmem>>) target(%dma_start3A_35 : memref<10240x128xf32, #tpu.memory_space<vmem_shared>>) offsets(%dma_start3A_32 : memref<128xi32, #tpu.memory_space<vmem>>) semaphore(%run_scoped3A : memref<!tpu.dma_semaphore, #tpu.memory_space<semaphore_mem>>) {add = true}
          %dma_wait3A_36 = arith.constant 0 : i32
          %dma_wait3A_37 = tpu.memref_slice %arg8[%scan3A_19, %dma_wait3A_36] : memref<108x128xi32, #tpu.memory_space<vmem>> -> memref<1x128xi32, #tpu.memory_space<vmem>>
          %dma_wait3A_38 = tpu.memref_squeeze %dma_wait3A_37 : memref<1x128xi32, #tpu.memory_space<vmem>> -> memref<128xi32, #tpu.memory_space<vmem>>
          %dma_wait3A_39 = arith.constant 0 : i32
          %dma_wait3A_40 = arith.constant 0 : i32
          %dma_wait3A_41 = tpu.memref_slice %arg11[%dma_wait3A_39, %dma_wait3A_40] : memref<10240x128xf32, #tpu.memory_space<vmem_shared>> -> memref<10240x128xf32, #tpu.memory_space<vmem_shared>>
          tpu.wait_indirect_dma semaphore(%run_scoped3A : memref<!tpu.dma_semaphore, #tpu.memory_space<semaphore_mem>>) src(%arg9 : memref<128x128xf32, #tpu.memory_space<vmem>>) dst(%dma_wait3A_41 : memref<10240x128xf32, #tpu.memory_space<vmem_shared>>)
          tpu.yield
        }) : () -> ()
      }
      %scan3A_18 = arith.constant 108 : i32
    } else {
    }
    %ne3A = arith.constant 0 : i32
    %ne3A_5 = arith.cmpi ne, %arg0, %ne3A : i32
    %convert_element_type3A_6 = arith.extui %ne3A_5 : i1 to i32
    %cond3A_7 = arith.constant 0 : i32
    %cond3A_8 = arith.cmpi ne, %convert_element_type3A_6, %cond3A_7 : i32
    scf.if %cond3A_8 {
      %scan3A = arith.constant 0 : i32
      %scan3A_14 = arith.constant 0 : i32
      %scan3A_15 = arith.constant 50 : i32
      %scan3A_16 = arith.addi %scan3A_14, %scan3A_15 : i32
      %scan3A_17 = arith.constant 1 : i32
      scf.for %scan3A_19 = %scan3A_14 to %scan3A_16 step %scan3A_17  : i32 {
        %dma_start3A = arith.constant 0 : i32
        %dma_start3A_20 = tpu.memref_slice %arg7[%scan3A_19, %dma_start3A] : memref<108x128xi32, #tpu.memory_space<vmem>> -> memref<1x128xi32, #tpu.memory_space<vmem>>
        %dma_start3A_21 = tpu.memref_squeeze %dma_start3A_20 : memref<1x128xi32, #tpu.memory_space<vmem>> -> memref<128xi32, #tpu.memory_space<vmem>>
        %dma_start3A_22 = arith.constant 0 : i32
        %dma_start3A_23 = arith.constant 0 : i32
        %dma_start3A_24 = tpu.memref_slice %arg2[%dma_start3A_22, %dma_start3A_23] : memref<10240x128xf32, #tpu.memory_space<hbm>> -> memref<10240x128xf32, #tpu.memory_space<hbm>>
        tpu.enqueue_indirect_dma source(%dma_start3A_24 : memref<10240x128xf32, #tpu.memory_space<hbm>>) target(%arg9 : memref<128x128xf32, #tpu.memory_space<vmem>>) offsets(%dma_start3A_21 : memref<128xi32, #tpu.memory_space<vmem>>) semaphore(%arg10 : memref<!tpu.dma_semaphore, #tpu.memory_space<semaphore_mem>>)
        %dma_wait3A = arith.constant 0 : i32
        %dma_wait3A_25 = tpu.memref_slice %arg7[%scan3A_19, %dma_wait3A] : memref<108x128xi32, #tpu.memory_space<vmem>> -> memref<1x128xi32, #tpu.memory_space<vmem>>
        %dma_wait3A_26 = tpu.memref_squeeze %dma_wait3A_25 : memref<1x128xi32, #tpu.memory_space<vmem>> -> memref<128xi32, #tpu.memory_space<vmem>>
        %dma_wait3A_27 = arith.constant 0 : i32
        %dma_wait3A_28 = arith.constant 0 : i32
        %dma_wait3A_29 = tpu.memref_slice %arg2[%dma_wait3A_27, %dma_wait3A_28] : memref<10240x128xf32, #tpu.memory_space<hbm>> -> memref<10240x128xf32, #tpu.memory_space<hbm>>
        tpu.wait_indirect_dma semaphore(%arg10 : memref<!tpu.dma_semaphore, #tpu.memory_space<semaphore_mem>>) src(%dma_wait3A_29 : memref<10240x128xf32, #tpu.memory_space<hbm>>) dst(%arg9 : memref<128x128xf32, #tpu.memory_space<vmem>>)
        "tpu.region"() ({
          %run_scoped3A = tpu.sem_alloc : memref<!tpu.dma_semaphore, #tpu.memory_space<semaphore_mem>>
          %dma_start3A_30 = arith.constant 0 : i32
          %dma_start3A_31 = tpu.memref_slice %arg8[%scan3A_19, %dma_start3A_30] : memref<108x128xi32, #tpu.memory_space<vmem>> -> memref<1x128xi32, #tpu.memory_space<vmem>>
          %dma_start3A_32 = tpu.memref_squeeze %dma_start3A_31 : memref<1x128xi32, #tpu.memory_space<vmem>> -> memref<128xi32, #tpu.memory_space<vmem>>
          %dma_start3A_33 = arith.constant 0 : i32
          %dma_start3A_34 = arith.constant 0 : i32
          %dma_start3A_35 = tpu.memref_slice %arg11[%dma_start3A_33, %dma_start3A_34] : memref<10240x128xf32, #tpu.memory_space<vmem_shared>> -> memref<10240x128xf32, #tpu.memory_space<vmem_shared>>
          tpu.enqueue_indirect_dma source(%arg9 : memref<128x128xf32, #tpu.memory_space<vmem>>) target(%dma_start3A_35 : memref<10240x128xf32, #tpu.memory_space<vmem_shared>>) offsets(%dma_start3A_32 : memref<128xi32, #tpu.memory_space<vmem>>) semaphore(%run_scoped3A : memref<!tpu.dma_semaphore, #tpu.memory_space<semaphore_mem>>) {add = true}
          %dma_wait3A_36 = arith.constant 0 : i32
          %dma_wait3A_37 = tpu.memref_slice %arg8[%scan3A_19, %dma_wait3A_36] : memref<108x128xi32, #tpu.memory_space<vmem>> -> memref<1x128xi32, #tpu.memory_space<vmem>>
          %dma_wait3A_38 = tpu.memref_squeeze %dma_wait3A_37 : memref<1x128xi32, #tpu.memory_space<vmem>> -> memref<128xi32, #tpu.memory_space<vmem>>
          %dma_wait3A_39 = arith.constant 0 : i32
          %dma_wait3A_40 = arith.constant 0 : i32
          %dma_wait3A_41 = tpu.memref_slice %arg11[%dma_wait3A_39, %dma_wait3A_40] : memref<10240x128xf32, #tpu.memory_space<vmem_shared>> -> memref<10240x128xf32, #tpu.memory_space<vmem_shared>>
          tpu.wait_indirect_dma semaphore(%run_scoped3A : memref<!tpu.dma_semaphore, #tpu.memory_space<semaphore_mem>>) src(%arg9 : memref<128x128xf32, #tpu.memory_space<vmem>>) dst(%dma_wait3A_41 : memref<10240x128xf32, #tpu.memory_space<vmem_shared>>)
          tpu.yield
        }) : () -> ()
      }
      %scan3A_18 = arith.constant 50 : i32
    } else {
    }
    %barrier3A_9 = arith.constant 0 : index
    tpu.barrier barrier_id(%barrier3A_9)
    %mul3A_10 = arith.constant 640 : i32
    %mul3A_11 = arith.muli %arg1, %mul3A_10 : i32
    %mul3A_12 = arith.constant 640 : i32
    %mul3A_13 = arith.muli %arg1, %mul3A_12 : i32
    "tpu.region"() ({
      %run_scoped3A = tpu.sem_alloc : memref<!tpu.dma_semaphore, #tpu.memory_space<semaphore_mem>>
      %dma_start3A = arith.constant 0 : i32
      %dma_start3A_14 = tpu.memref_slice %arg6[%arg0, %mul3A_13, %dma_start3A] : memref<2x10240x128xf32, #tpu.memory_space<hbm>> -> memref<1x640x128xf32, #tpu.memory_space<hbm>>
      %dma_start3A_15 = tpu.memref_squeeze %dma_start3A_14 : memref<1x640x128xf32, #tpu.memory_space<hbm>> -> memref<640x128xf32, #tpu.memory_space<hbm>>
      %dma_start3A_16 = arith.constant 0 : i32
      %dma_start3A_17 = tpu.memref_slice %arg11[%mul3A_11, %dma_start3A_16] : memref<10240x128xf32, #tpu.memory_space<vmem_shared>> -> memref<640x128xf32, #tpu.memory_space<vmem_shared>>
      tpu.enqueue_dma source(%dma_start3A_17 : memref<640x128xf32, #tpu.memory_space<vmem_shared>>) target(%dma_start3A_15 : memref<640x128xf32, #tpu.memory_space<hbm>>) target_semaphore(%run_scoped3A : memref<!tpu.dma_semaphore, #tpu.memory_space<semaphore_mem>>)
      %dma_wait3A = arith.constant 0 : i32
      %dma_wait3A_18 = tpu.memref_slice %arg6[%arg0, %mul3A_13, %dma_wait3A] : memref<2x10240x128xf32, #tpu.memory_space<hbm>> -> memref<1x640x128xf32, #tpu.memory_space<hbm>>
      %dma_wait3A_19 = tpu.memref_squeeze %dma_wait3A_18 : memref<1x640x128xf32, #tpu.memory_space<hbm>> -> memref<640x128xf32, #tpu.memory_space<hbm>>
      %dma_wait3A_20 = arith.constant 0 : i32
      %dma_wait3A_21 = tpu.memref_slice %arg11[%mul3A_11, %dma_wait3A_20] : memref<10240x128xf32, #tpu.memory_space<vmem_shared>> -> memref<640x128xf32, #tpu.memory_space<vmem_shared>>
      tpu.wait_dma2 semaphore(%run_scoped3A : memref<!tpu.dma_semaphore, #tpu.memory_space<semaphore_mem>>) src(%dma_wait3A_21 : memref<640x128xf32, #tpu.memory_space<vmem_shared>>) dst(%dma_wait3A_19 : memref<640x128xf32, #tpu.memory_space<hbm>>)
      tpu.yield
    }) : () -> ()
    return
  }
}

module attributes {stable_mosaic.version = 14 : i64} {
  func.func @_pre_body(%arg0: i32, %arg1: memref<2048x192xf32, #tpu.memory_space<vmem>>, %arg2: memref<32x2048xf32, #tpu.memory_space<vmem>>, %arg3: memref<192x128xf32, #tpu.memory_space<vmem>>, %arg4: memref<1x128xf32, #tpu.memory_space<vmem>>, %arg5: memref<2048x128xf32, #tpu.memory_space<vmem>>, %arg6: memref<2048x128xf32, #tpu.memory_space<vmem>>, %arg7: memref<2048x128xf32, #tpu.memory_space<vmem>>) attributes {dimension_semantics = [#tpu.dimension_semantics<arbitrary>], iteration_bounds = array<i64: 5>, scalar_prefetch = 0 : i64, scratch_operands = 0 : i64, tpu.core_type = #tpu.core_type<tc>, window_params = [{transform_indices = @transform_0, window_bounds = array<i64: 2048, 192>}, {transform_indices = @transform_1, window_bounds = array<i64: 32, 2048>}, {pipeline_mode = #tpu.pipeline_mode<synchronous>, transform_indices = @transform_2, window_bounds = array<i64: 192, 128>}, {pipeline_mode = #tpu.pipeline_mode<synchronous>, transform_indices = @transform_3, window_bounds = array<i64: 1, 128>}, {transform_indices = @transform_4, window_bounds = array<i64: 2048, 128>}, {transform_indices = @transform_5, window_bounds = array<i64: 2048, 128>}, {transform_indices = @transform_6, window_bounds = array<i64: 2048, 128>}]} {
    %get3A = arith.constant 0 : index
    %get3A_0 = arith.constant 0 : index
    %get3A_1 = vector.load %arg2[%get3A, %get3A_0] : memref<32x2048xf32, #tpu.memory_space<vmem>>, vector<32x2048xf32>
    %reduce_sum3A = arith.constant dense<0.000000e+00> : vector<2048xf32>
    %reduce_sum3A_2 = vector.multi_reduction <add>, %get3A_1, %reduce_sum3A [0] : vector<32x2048xf32> to vector<2048xf32>
    %gt3A = arith.constant 0.000000e+00 : f32
    %gt3A_3 = vector.broadcast %gt3A : f32 to vector<2048xf32>
    %gt3A_4 = arith.cmpf ogt, %reduce_sum3A_2, %gt3A_3 : vector<2048xf32>
    %max3A = arith.constant 9.99999996E-13 : f32
    %max3A_5 = vector.broadcast %max3A : f32 to vector<2048xf32>
    %max3A_6 = arith.maximumf %reduce_sum3A_2, %max3A_5 : vector<2048xf32>
    %rsqrt3A = math.rsqrt %max3A_6 : vector<2048xf32>
    %jit3A = arith.constant 0.000000e+00 : f32
    %broadcast_in_dim3A = vector.broadcast %jit3A : f32 to vector<2048xf32>
    %select_n3A = arith.select %gt3A_4, %rsqrt3A, %broadcast_in_dim3A : vector<2048xi1>, vector<2048xf32>
    %get3A_7 = arith.constant 0 : index
    %get3A_8 = arith.constant 0 : index
    %get3A_9 = vector.load %arg1[%get3A_7, %get3A_8] : memref<2048x192xf32, #tpu.memory_space<vmem>>, vector<2048x192xf32>
    %get3A_10 = arith.constant 0 : index
    %get3A_11 = arith.constant 0 : index
    %get3A_12 = vector.load %arg3[%get3A_10, %get3A_11] : memref<192x128xf32, #tpu.memory_space<vmem>>, vector<192x128xf32>
    %dot_general3A = arith.constant dense<0.000000e+00> : vector<2048x128xf32>
    %dot_general3A_13 = tpu.matmul %get3A_9, %get3A_12, %dot_general3A {dimension_numbers = #tpu.dot_dimension_numbers<[1], [0], [0], [1], [0, 0, 1, 1], [], []>, precision = #tpu.contract_precision<fp32>, transpose_lhs_hint = false} : vector<2048x192xf32>, vector<192x128xf32>, vector<2048x128xf32> -> vector<2048x128xf32>
    %get3A_14 = arith.constant 0 : index
    %get3A_15 = arith.constant 0 : index
    %get3A_16 = vector.load %arg4[%get3A_14, %get3A_15] : memref<1x128xf32, #tpu.memory_space<vmem>>, vector<1x128xf32>
    %add3A = vector.broadcast %get3A_16 : vector<1x128xf32> to vector<2048x128xf32>
    %add3A_17 = arith.addf %dot_general3A_13, %add3A : vector<2048x128xf32>
    %max3A_18 = arith.constant 0.000000e+00 : f32
    %max3A_19 = vector.broadcast %max3A_18 : f32 to vector<2048x128xf32>
    %max3A_20 = arith.maximumf %add3A_17, %max3A_19 : vector<2048x128xf32>
    %swap3A = arith.constant 0 : index
    %swap3A_21 = arith.constant 0 : index
    %swap3A_22 = vector.load %arg5[%swap3A, %swap3A_21] : memref<2048x128xf32, #tpu.memory_space<vmem>>, vector<2048x128xf32>
    tpu.vector_store %arg5[%swap3A, %swap3A_21], %max3A_20 {strides = array<i32>} : memref<2048x128xf32, #tpu.memory_space<vmem>>, vector<2048x128xf32>,
    %broadcast_in_dim3A_23 = vector.shape_cast %select_n3A : vector<2048xf32> to vector<2048x1xf32>
    %mul3A = vector.broadcast %broadcast_in_dim3A_23 : vector<2048x1xf32> to vector<2048x128xf32>
    %mul3A_24 = arith.mulf %max3A_20, %mul3A : vector<2048x128xf32>
    %swap3A_25 = arith.constant 0 : index
    %swap3A_26 = arith.constant 0 : index
    %swap3A_27 = vector.load %arg6[%swap3A_25, %swap3A_26] : memref<2048x128xf32, #tpu.memory_space<vmem>>, vector<2048x128xf32>
    tpu.vector_store %arg6[%swap3A_25, %swap3A_26], %mul3A_24 {strides = array<i32>} : memref<2048x128xf32, #tpu.memory_space<vmem>>, vector<2048x128xf32>,
    %broadcast_in_dim3A_28 = vector.shape_cast %select_n3A : vector<2048xf32> to vector<2048x1xf32>
    %broadcast_in_dim3A_29 = vector.shape_cast %broadcast_in_dim3A_28 : vector<2048x1xf32> to vector<2048x1xf32>
    %broadcast_in_dim3A_30 = vector.broadcast %broadcast_in_dim3A_29 : vector<2048x1xf32> to vector<2048x128xf32>
    %swap3A_31 = arith.constant 0 : index
    %swap3A_32 = arith.constant 0 : index
    %swap3A_33 = vector.load %arg7[%swap3A_31, %swap3A_32] : memref<2048x128xf32, #tpu.memory_space<vmem>>, vector<2048x128xf32>
    tpu.vector_store %arg7[%swap3A_31, %swap3A_32], %broadcast_in_dim3A_30 {strides = array<i32>} : memref<2048x128xf32, #tpu.memory_space<vmem>>, vector<2048x128xf32>,
    return
  }
  func.func @transform_0(%arg0: i32) -> (i32, i32) {
    %c0_i32 = arith.constant 0 : i32
    %c0_i32_0 = arith.constant 0 : i32
    return %arg0, %c0_i32 : i32, i32
  }
  func.func @transform_1(%arg0: i32) -> (i32, i32) {
    %c0_i32 = arith.constant 0 : i32
    %c0_i32_0 = arith.constant 0 : i32
    return %c0_i32, %arg0 : i32, i32
  }
  func.func @transform_2(%arg0: i32) -> (i32, i32) {
    %c0_i32 = arith.constant 0 : i32
    %c0_i32_0 = arith.constant 0 : i32
    %c0_i32_1 = arith.constant 0 : i32
    return %c0_i32, %c0_i32_0 : i32, i32
  }
  func.func @transform_3(%arg0: i32) -> (i32, i32) {
    %c0_i32 = arith.constant 0 : i32
    %c0_i32_0 = arith.constant 0 : i32
    %c0_i32_1 = arith.constant 0 : i32
    return %c0_i32, %c0_i32_0 : i32, i32
  }
  func.func @transform_4(%arg0: i32) -> (i32, i32) {
    %c0_i32 = arith.constant 0 : i32
    %c0_i32_0 = arith.constant 0 : i32
    return %arg0, %c0_i32 : i32, i32
  }
  func.func @transform_5(%arg0: i32) -> (i32, i32) {
    %c0_i32 = arith.constant 0 : i32
    %c0_i32_0 = arith.constant 0 : i32
    return %arg0, %c0_i32 : i32, i32
  }
  func.func @transform_6(%arg0: i32) -> (i32, i32) {
    %c0_i32 = arith.constant 0 : i32
    %c0_i32_0 = arith.constant 0 : i32
    return %arg0, %c0_i32 : i32, i32
  }
}

module attributes {stable_mosaic.version = 14 : i64} {
  func.func @_layer_body(%arg0: i32, %arg1: memref<2x2048x128xf32, #tpu.memory_space<vmem>>, %arg2: memref<2048x128xf32, #tpu.memory_space<vmem>>, %arg3: memref<2048x128xf32, #tpu.memory_space<vmem>>, %arg4: memref<128x128xf32, #tpu.memory_space<vmem>>, %arg5: memref<128x128xf32, #tpu.memory_space<vmem>>, %arg6: memref<2048x128xf32, #tpu.memory_space<vmem>>) attributes {dimension_semantics = [#tpu.dimension_semantics<arbitrary>], iteration_bounds = array<i64: 5>, scalar_prefetch = 0 : i64, scratch_operands = 0 : i64, tpu.core_type = #tpu.core_type<tc>, window_params = [{transform_indices = @transform_0, window_bounds = array<i64: 2, 2048, 128>}, {transform_indices = @transform_1, window_bounds = array<i64: 2048, 128>}, {transform_indices = @transform_2, window_bounds = array<i64: 2048, 128>}, {pipeline_mode = #tpu.pipeline_mode<synchronous>, transform_indices = @transform_3, window_bounds = array<i64: 128, 128>}, {pipeline_mode = #tpu.pipeline_mode<synchronous>, transform_indices = @transform_4, window_bounds = array<i64: 128, 128>}, {transform_indices = @transform_5, window_bounds = array<i64: 2048, 128>}]} {
    %get3A = arith.constant 0 : index
    %get3A_0 = arith.constant 0 : index
    %get3A_1 = arith.constant 0 : index
    %get3A_2 = vector.load %arg1[%get3A, %get3A_0, %get3A_1] : memref<2x2048x128xf32, #tpu.memory_space<vmem>>, vector<1x2048x128xf32>
    %get3A_3 = vector.shape_cast %get3A_2 : vector<1x2048x128xf32> to vector<2048x128xf32>
    %get3A_4 = arith.constant 1 : index
    %get3A_5 = arith.constant 0 : index
    %get3A_6 = arith.constant 0 : index
    %get3A_7 = vector.load %arg1[%get3A_4, %get3A_5, %get3A_6] : memref<2x2048x128xf32, #tpu.memory_space<vmem>>, vector<1x2048x128xf32>
    %get3A_8 = vector.shape_cast %get3A_7 : vector<1x2048x128xf32> to vector<2048x128xf32>
    %add3A = arith.addf %get3A_3, %get3A_8 : vector<2048x128xf32>
    %get3A_9 = arith.constant 0 : index
    %get3A_10 = arith.constant 0 : index
    %get3A_11 = vector.load %arg3[%get3A_9, %get3A_10] : memref<2048x128xf32, #tpu.memory_space<vmem>>, vector<2048x128xf32>
    %mul3A = arith.mulf %add3A, %get3A_11 : vector<2048x128xf32>
    %mul3A_12 = arith.constant 6.000000e-01 : f32
    %mul3A_13 = vector.broadcast %mul3A_12 : f32 to vector<2048x128xf32>
    %mul3A_14 = arith.mulf %mul3A, %mul3A_13 : vector<2048x128xf32>
    %get3A_15 = arith.constant 0 : index
    %get3A_16 = arith.constant 0 : index
    %get3A_17 = vector.load %arg2[%get3A_15, %get3A_16] : memref<2048x128xf32, #tpu.memory_space<vmem>>, vector<2048x128xf32>
    %mul3A_18 = arith.constant 4.000000e-01 : f32
    %mul3A_19 = vector.broadcast %mul3A_18 : f32 to vector<2048x128xf32>
    %mul3A_20 = arith.mulf %get3A_17, %mul3A_19 : vector<2048x128xf32>
    %add3A_21 = arith.addf %mul3A_14, %mul3A_20 : vector<2048x128xf32>
    %mul3A_22 = arith.constant 0.358146101 : f32
    %mul3A_23 = vector.broadcast %mul3A_22 : f32 to vector<2048x128xf32>
    %mul3A_24 = arith.mulf %mul3A_23, %add3A_21 : vector<2048x128xf32>
    %get3A_25 = arith.constant 0 : index
    %get3A_26 = arith.constant 0 : index
    %get3A_27 = vector.load %arg4[%get3A_25, %get3A_26] : memref<128x128xf32, #tpu.memory_space<vmem>>, vector<128x128xf32>
    %dot_general3A = arith.constant dense<0.000000e+00> : vector<2048x128xf32>
    %dot_general3A_28 = tpu.matmul %mul3A_14, %get3A_27, %dot_general3A {dimension_numbers = #tpu.dot_dimension_numbers<[1], [0], [0], [1], [0, 0, 1, 1], [], []>, precision = #tpu.contract_precision<fp32>, transpose_lhs_hint = false} : vector<2048x128xf32>, vector<128x128xf32>, vector<2048x128xf32> -> vector<2048x128xf32>
    %get3A_29 = arith.constant 0 : index
    %get3A_30 = arith.constant 0 : index
    %get3A_31 = vector.load %arg5[%get3A_29, %get3A_30] : memref<128x128xf32, #tpu.memory_space<vmem>>, vector<128x128xf32>
    %dot_general3A_32 = arith.constant dense<0.000000e+00> : vector<2048x128xf32>
    %dot_general3A_33 = tpu.matmul %mul3A_20, %get3A_31, %dot_general3A_32 {dimension_numbers = #tpu.dot_dimension_numbers<[1], [0], [0], [1], [0, 0, 1, 1], [], []>, precision = #tpu.contract_precision<fp32>, transpose_lhs_hint = false} : vector<2048x128xf32>, vector<128x128xf32>, vector<2048x128xf32> -> vector<2048x128xf32>
    %add3A_34 = arith.addf %dot_general3A_28, %dot_general3A_33 : vector<2048x128xf32>
    %mul3A_35 = arith.constant 0.641853868 : f32
    %mul3A_36 = vector.broadcast %mul3A_35 : f32 to vector<2048x128xf32>
    %mul3A_37 = arith.mulf %mul3A_36, %add3A_34 : vector<2048x128xf32>
    %add3A_38 = arith.addf %mul3A_24, %mul3A_37 : vector<2048x128xf32>
    %max3A = arith.constant 0.000000e+00 : f32
    %max3A_39 = vector.broadcast %max3A : f32 to vector<2048x128xf32>
    %max3A_40 = arith.maximumf %add3A_38, %max3A_39 : vector<2048x128xf32>
    %get3A_41 = arith.constant 0 : index
    %get3A_42 = arith.constant 0 : index
    %get3A_43 = vector.load %arg3[%get3A_41, %get3A_42] : memref<2048x128xf32, #tpu.memory_space<vmem>>, vector<2048x128xf32>
    %mul3A_44 = arith.mulf %max3A_40, %get3A_43 : vector<2048x128xf32>
    %swap3A = arith.constant 0 : index
    %swap3A_45 = arith.constant 0 : index
    %swap3A_46 = vector.load %arg6[%swap3A, %swap3A_45] : memref<2048x128xf32, #tpu.memory_space<vmem>>, vector<2048x128xf32>
    tpu.vector_store %arg6[%swap3A, %swap3A_45], %mul3A_44 {strides = array<i32>} : memref<2048x128xf32, #tpu.memory_space<vmem>>, vector<2048x128xf32>,
    return
  }
  func.func @transform_0(%arg0: i32) -> (i32, i32, i32) {
    %c0_i32 = arith.constant 0 : i32
    %c0_i32_0 = arith.constant 0 : i32
    %c0_i32_1 = arith.constant 0 : i32
    return %c0_i32, %arg0, %c0_i32_0 : i32, i32, i32
  }
  func.func @transform_1(%arg0: i32) -> (i32, i32) {
    %c0_i32 = arith.constant 0 : i32
    %c0_i32_0 = arith.constant 0 : i32
    return %arg0, %c0_i32 : i32, i32
  }
  func.func @transform_2(%arg0: i32) -> (i32, i32) {
    %c0_i32 = arith.constant 0 : i32
    %c0_i32_0 = arith.constant 0 : i32
    return %arg0, %c0_i32 : i32, i32
  }
  func.func @transform_3(%arg0: i32) -> (i32, i32) {
    %c0_i32 = arith.constant 0 : i32
    %c0_i32_0 = arith.constant 0 : i32
    %c0_i32_1 = arith.constant 0 : i32
    return %c0_i32, %c0_i32_0 : i32, i32
  }
  func.func @transform_4(%arg0: i32) -> (i32, i32) {
    %c0_i32 = arith.constant 0 : i32
    %c0_i32_0 = arith.constant 0 : i32
    %c0_i32_1 = arith.constant 0 : i32
    return %c0_i32, %c0_i32_0 : i32, i32
  }
  func.func @transform_5(%arg0: i32) -> (i32, i32) {
    %c0_i32 = arith.constant 0 : i32
    %c0_i32_0 = arith.constant 0 : i32
    return %arg0, %c0_i32 : i32, i32
  }
}

module attributes {stable_mosaic.version = 14 : i64} {
  func.func @_final_body(%arg0: i32, %arg1: memref<2x2048x128xf32, #tpu.memory_space<vmem>>, %arg2: memref<2048x128xf32, #tpu.memory_space<vmem>>, %arg3: memref<2048x128xf32, #tpu.memory_space<vmem>>, %arg4: memref<128x128xf32, #tpu.memory_space<vmem>>, %arg5: memref<128x128xf32, #tpu.memory_space<vmem>>, %arg6: memref<128x128xf32, #tpu.memory_space<vmem>>, %arg7: memref<1x128xf32, #tpu.memory_space<vmem>>, %arg8: memref<2048x128xf32, #tpu.memory_space<vmem>>) attributes {dimension_semantics = [#tpu.dimension_semantics<arbitrary>], iteration_bounds = array<i64: 5>, scalar_prefetch = 0 : i64, scratch_operands = 0 : i64, tpu.core_type = #tpu.core_type<tc>, window_params = [{transform_indices = @transform_0, window_bounds = array<i64: 2, 2048, 128>}, {transform_indices = @transform_1, window_bounds = array<i64: 2048, 128>}, {transform_indices = @transform_2, window_bounds = array<i64: 2048, 128>}, {pipeline_mode = #tpu.pipeline_mode<synchronous>, transform_indices = @transform_3, window_bounds = array<i64: 128, 128>}, {pipeline_mode = #tpu.pipeline_mode<synchronous>, transform_indices = @transform_4, window_bounds = array<i64: 128, 128>}, {pipeline_mode = #tpu.pipeline_mode<synchronous>, transform_indices = @transform_5, window_bounds = array<i64: 128, 128>}, {pipeline_mode = #tpu.pipeline_mode<synchronous>, transform_indices = @transform_6, window_bounds = array<i64: 1, 128>}, {transform_indices = @transform_7, window_bounds = array<i64: 2048, 128>}]} {
    %get3A = arith.constant 0 : index
    %get3A_0 = arith.constant 0 : index
    %get3A_1 = arith.constant 0 : index
    %get3A_2 = vector.load %arg1[%get3A, %get3A_0, %get3A_1] : memref<2x2048x128xf32, #tpu.memory_space<vmem>>, vector<1x2048x128xf32>
    %get3A_3 = vector.shape_cast %get3A_2 : vector<1x2048x128xf32> to vector<2048x128xf32>
    %get3A_4 = arith.constant 1 : index
    %get3A_5 = arith.constant 0 : index
    %get3A_6 = arith.constant 0 : index
    %get3A_7 = vector.load %arg1[%get3A_4, %get3A_5, %get3A_6] : memref<2x2048x128xf32, #tpu.memory_space<vmem>>, vector<1x2048x128xf32>
    %get3A_8 = vector.shape_cast %get3A_7 : vector<1x2048x128xf32> to vector<2048x128xf32>
    %add3A = arith.addf %get3A_3, %get3A_8 : vector<2048x128xf32>
    %get3A_9 = arith.constant 0 : index
    %get3A_10 = arith.constant 0 : index
    %get3A_11 = vector.load %arg3[%get3A_9, %get3A_10] : memref<2048x128xf32, #tpu.memory_space<vmem>>, vector<2048x128xf32>
    %mul3A = arith.mulf %add3A, %get3A_11 : vector<2048x128xf32>
    %mul3A_12 = arith.constant 6.000000e-01 : f32
    %mul3A_13 = vector.broadcast %mul3A_12 : f32 to vector<2048x128xf32>
    %mul3A_14 = arith.mulf %mul3A, %mul3A_13 : vector<2048x128xf32>
    %get3A_15 = arith.constant 0 : index
    %get3A_16 = arith.constant 0 : index
    %get3A_17 = vector.load %arg2[%get3A_15, %get3A_16] : memref<2048x128xf32, #tpu.memory_space<vmem>>, vector<2048x128xf32>
    %mul3A_18 = arith.constant 4.000000e-01 : f32
    %mul3A_19 = vector.broadcast %mul3A_18 : f32 to vector<2048x128xf32>
    %mul3A_20 = arith.mulf %get3A_17, %mul3A_19 : vector<2048x128xf32>
    %add3A_21 = arith.addf %mul3A_14, %mul3A_20 : vector<2048x128xf32>
    %mul3A_22 = arith.constant 0.628436446 : f32
    %mul3A_23 = vector.broadcast %mul3A_22 : f32 to vector<2048x128xf32>
    %mul3A_24 = arith.mulf %mul3A_23, %add3A_21 : vector<2048x128xf32>
    %get3A_25 = arith.constant 0 : index
    %get3A_26 = arith.constant 0 : index
    %get3A_27 = vector.load %arg4[%get3A_25, %get3A_26] : memref<128x128xf32, #tpu.memory_space<vmem>>, vector<128x128xf32>
    %dot_general3A = arith.constant dense<0.000000e+00> : vector<2048x128xf32>
    %dot_general3A_28 = tpu.matmul %mul3A_14, %get3A_27, %dot_general3A {dimension_numbers = #tpu.dot_dimension_numbers<[1], [0], [0], [1], [0, 0, 1, 1], [], []>, precision = #tpu.contract_precision<fp32>, transpose_lhs_hint = false} : vector<2048x128xf32>, vector<128x128xf32>, vector<2048x128xf32> -> vector<2048x128xf32>
    %get3A_29 = arith.constant 0 : index
    %get3A_30 = arith.constant 0 : index
    %get3A_31 = vector.load %arg5[%get3A_29, %get3A_30] : memref<128x128xf32, #tpu.memory_space<vmem>>, vector<128x128xf32>
    %dot_general3A_32 = arith.constant dense<0.000000e+00> : vector<2048x128xf32>
    %dot_general3A_33 = tpu.matmul %mul3A_20, %get3A_31, %dot_general3A_32 {dimension_numbers = #tpu.dot_dimension_numbers<[1], [0], [0], [1], [0, 0, 1, 1], [], []>, precision = #tpu.contract_precision<fp32>, transpose_lhs_hint = false} : vector<2048x128xf32>, vector<128x128xf32>, vector<2048x128xf32> -> vector<2048x128xf32>
    %add3A_34 = arith.addf %dot_general3A_28, %dot_general3A_33 : vector<2048x128xf32>
    %mul3A_35 = arith.constant 0.371563554 : f32
    %mul3A_36 = vector.broadcast %mul3A_35 : f32 to vector<2048x128xf32>
    %mul3A_37 = arith.mulf %mul3A_36, %add3A_34 : vector<2048x128xf32>
    %add3A_38 = arith.addf %mul3A_24, %mul3A_37 : vector<2048x128xf32>
    %max3A = arith.constant 0.000000e+00 : f32
    %max3A_39 = vector.broadcast %max3A : f32 to vector<2048x128xf32>
    %max3A_40 = arith.maximumf %add3A_38, %max3A_39 : vector<2048x128xf32>
    %get3A_41 = arith.constant 0 : index
    %get3A_42 = arith.constant 0 : index
    %get3A_43 = vector.load %arg6[%get3A_41, %get3A_42] : memref<128x128xf32, #tpu.memory_space<vmem>>, vector<128x128xf32>
    %dot_general3A_44 = arith.constant dense<0.000000e+00> : vector<2048x128xf32>
    %dot_general3A_45 = tpu.matmul %max3A_40, %get3A_43, %dot_general3A_44 {dimension_numbers = #tpu.dot_dimension_numbers<[1], [0], [0], [1], [0, 0, 1, 1], [], []>, precision = #tpu.contract_precision<fp32>, transpose_lhs_hint = false} : vector<2048x128xf32>, vector<128x128xf32>, vector<2048x128xf32> -> vector<2048x128xf32>
    %get3A_46 = arith.constant 0 : index
    %get3A_47 = arith.constant 0 : index
    %get3A_48 = vector.load %arg7[%get3A_46, %get3A_47] : memref<1x128xf32, #tpu.memory_space<vmem>>, vector<1x128xf32>
    %add3A_49 = vector.broadcast %get3A_48 : vector<1x128xf32> to vector<2048x128xf32>
    %add3A_50 = arith.addf %dot_general3A_45, %add3A_49 : vector<2048x128xf32>
    %swap3A = arith.constant 0 : index
    %swap3A_51 = arith.constant 0 : index
    %swap3A_52 = vector.load %arg8[%swap3A, %swap3A_51] : memref<2048x128xf32, #tpu.memory_space<vmem>>, vector<2048x128xf32>
    tpu.vector_store %arg8[%swap3A, %swap3A_51], %add3A_50 {strides = array<i32>} : memref<2048x128xf32, #tpu.memory_space<vmem>>, vector<2048x128xf32>,
    return
  }
  func.func @transform_0(%arg0: i32) -> (i32, i32, i32) {
    %c0_i32 = arith.constant 0 : i32
    %c0_i32_0 = arith.constant 0 : i32
    %c0_i32_1 = arith.constant 0 : i32
    return %c0_i32, %arg0, %c0_i32_0 : i32, i32, i32
  }
  func.func @transform_1(%arg0: i32) -> (i32, i32) {
    %c0_i32 = arith.constant 0 : i32
    %c0_i32_0 = arith.constant 0 : i32
    return %arg0, %c0_i32 : i32, i32
  }
  func.func @transform_2(%arg0: i32) -> (i32, i32) {
    %c0_i32 = arith.constant 0 : i32
    %c0_i32_0 = arith.constant 0 : i32
    return %arg0, %c0_i32 : i32, i32
  }
  func.func @transform_3(%arg0: i32) -> (i32, i32) {
    %c0_i32 = arith.constant 0 : i32
    %c0_i32_0 = arith.constant 0 : i32
    %c0_i32_1 = arith.constant 0 : i32
    return %c0_i32, %c0_i32_0 : i32, i32
  }
  func.func @transform_4(%arg0: i32) -> (i32, i32) {
    %c0_i32 = arith.constant 0 : i32
    %c0_i32_0 = arith.constant 0 : i32
    %c0_i32_1 = arith.constant 0 : i32
    return %c0_i32, %c0_i32_0 : i32, i32
  }
  func.func @transform_5(%arg0: i32) -> (i32, i32) {
    %c0_i32 = arith.constant 0 : i32
    %c0_i32_0 = arith.constant 0 : i32
    %c0_i32_1 = arith.constant 0 : i32
    return %c0_i32, %c0_i32_0 : i32, i32
  }
  func.func @transform_6(%arg0: i32) -> (i32, i32) {
    %c0_i32 = arith.constant 0 : i32
    %c0_i32_0 = arith.constant 0 : i32
    %c0_i32_1 = arith.constant 0 : i32
    return %c0_i32, %c0_i32_0 : i32, i32
  }
  func.func @transform_7(%arg0: i32) -> (i32, i32) {
    %c0_i32 = arith.constant 0 : i32
    %c0_i32_0 = arith.constant 0 : i32
    return %arg0, %c0_i32 : i32, i32
  }
}

</mosaic_0001>

<sc_bundles>
// kernel: kernel.11.cloned.1.call-start
scs
__scs_entry_jumppad:
0x0: {  	(pc) =	sbr.rel $0x88, $3  }
0x1: {  	(tag) =	ssettag $0x0;
	lr =	simm.s32 $0x1  }
0x2: {  	[smem:$0x3F92] =	sst lr;
	_ =	strace $0xD0000000  }
0x3: {  	_ = 	snop  }
0x4: {  	_ = 	snop  }
0x5: {  	_ = 	snop  }
0x6: {  	_ = 	snop  }
0x7: {  	_ = 	snop  }
__scs_overlays_trampoline_lowered:
0x8: {  	[smem:$0x3FA1] =	sst s0  }
0x9: {  	[smem:$0x3FA2] =	sst s1  }
0xa: {  	[smem:$0x3FA3] =	sst s2  }
0xb: {  	[smem:$0x3FA4] =	sst s3  }
0xc: {  	[smem:$0x3FA5] =	sst s4  }
0xd: {  	[smem:$0x3FA6] =	sst s5  }
0xe: {  	[smem:$0x3FA7] =	sst s6  }
0xf: {  	[smem:$0x3FA8] =	sst s7  }
0x10: {  	[smem:$0x3FA9] =	sst s8  }
0x11: {  	[smem:$0x3FAA] =	sst s9;
	s0 =	simm.s32 @!p0 $0x0  }
0x12: {  	s1 =	sld [smem:$0x3F90];
	s0 =	simm.s32 @p0 $0x1  }
0x13: {  	[smem:$0x3FAB] =	sst s0;
	s0 =	simm.s32 @!p1 $0x0  }
0x14: {  	s2 =	sld [smem:$0x3F8F];
	s0 =	simm.s32 @p1 $0x1  }
0x15: {  	[smem:$0x3FAC] =	sst s0;
	s0 =	simm.s32 @!p2 $0x0  }
0x16: {  	s3 =	sld [smem:$0x3FDB];
	s0 =	simm.s32 @p2 $0x1  }
0x17: {  	s4 =	simm.s32 $0x1BF5;
	[smem:$0x3FAE] =	sst s0  }
0x18: {  	s0 =	sld [smem:$0x3F91];
	_ =	swait.ge [sflag:s4], $0x0  }
0x19: {  	s7 =	sld [smem:$0x3F92]  }
0x1a: {  	s8 =	sadd.s32 $0xFFFFE003, lr  }
0x1b: {  	s9 =	sadd.s32 $0xFFFFFEF7, lr;
	s5 =	simm.s32 $0xFFFFFFFF;
	p2 =	slt.u32 s8, $0xFFFFF086  }
0x1c: {  	p1 =	slt.u32 s9, $0xF7A;
	s5 =	simm.s32 @!p2 $0x0  }
0x1d: {  	s5 =	simm.s32 @p1 $0x1;
	p0 =	seq.s32 s7, s2  }
0x1e: {  	s7 =	smul.u32 @!p0 $0xF7A, s2;
	p2 =	seq.s32 @!p0 s5, $0x0  }
0x1f: {  	s9 =	smul.u32 $0xF7A, s1;
	s8 =	simm.s32 @!p0 $0x1BF5;
	p2 =	por !p2, p0  }
0x20: {  	[sflag:s8] =	ssyncset.s32 @!p0 $0xFFFFF086;
	s6 =	sadd.s32 @!p0 s3, s7;
	s7 =	simm.s32 @!p0 $0x108  }
0x21: {  	s3 =	sadd.s32 s3, s9;
	s6 =	sadd.s32 @!p0 $0x88, s6;
	s7 =	simm.s32 @p2 $0x1082  }
0x22: {  	[simem:s7], [sflag:s8] =	dma.local @!p0 [hbm:s6], $0xF7A  }
0x23: {  	s9 =	sor.u32 $0xD0000000, s2;
	s6 =	simm.s32 $0x108;
	_ =	swait.ge @!p0 [sflag:s8], $0x0  }
0x24: {  	s3 =	sadd.s32 $0x88, s3;
	s6 =	simm.s32 @!p1 $0x1082;
	[sflag:s4] =	ssyncset.s32 $0xFFFFF086  }
0x25: {  	[simem:s6], [sflag:s4] =	dma.local [hbm:s3], $0xF7A  }
0x26: {  	[smem:$0x3F92] =	sst s1;
	(tag) =	ssettag s2;
	_ =	strace s9  }
0x27: {  	s1 =	sld [smem:$0x3FA2]  }
0x28: {  	s2 =	sld [smem:$0x3FA3]  }
0x29: {  	s4 =	sld [smem:$0x3FA5]  }
0x2a: {  	p0 =	seq.s32 s5, $0x0;
	s5 =	sld [smem:$0x3FA6]  }
0x2b: {  	s6 =	sld [smem:$0x3FA7]  }
0x2c: {  	s7 =	sld [smem:$0x3FA8]  }
0x2d: {  	s3 =	simm.s32 $0x108;
	s8 =	sld [smem:$0x3FA9]  }
0x2e: {  	s3 =	simm.s32 @!p0 $0x1082;
	s9 =	sld [smem:$0x3FAA]  }
0x2f: {  	lr =	sadd.s32 s0, s3;
	s0 =	sld [smem:$0x3FA1]  }
0x30: {  	s3 =	sld [smem:$0x3FA4]  }
0x31: {  	[smem:$0x3FAD] =	sst s10  }
0x32: {  	s10 =	sld [smem:$0x3FAB];
	_ =	sdelay $0x3  }
0x33: {  	p0 =	seq.s32 s10, $0x1;
	s10 =	sld [smem:$0x3FAD];
	_ =	sdelay $0x3  }
0x34: {  	[smem:$0x3FAD] =	sst s10  }
0x35: {  	s10 =	sld [smem:$0x3FAC];
	_ =	sdelay $0x3  }
0x36: {  	p1 =	seq.s32 s10, $0x1;
	s10 =	sld [smem:$0x3FAD];
	_ =	sdelay $0x3  }
0x37: {  	[smem:$0x3FAD] =	sst s10  }
0x38: {  	s10 =	sld [smem:$0x3FAE]  }
0x39: {  	_ = 	snop;
	(pc) =	sbr.ind lr, $3  }
0x3a: {  	_ = 	snop  }
0x3b: {  	_ = 	snop  }
0x3c: {  	p2 =	seq.s32 s10, $0x1;
	s10 =	sld [smem:$0x3FAD]  }
0x3d: {  	_ =	shalt  }
0x3e: {  	_ =	shalt  }
0x3f: {  	_ =	shalt  }
0x40: {  	_ =	shalt  }
0x41: {  	_ =	shalt  }
0x42: {  	_ =	shalt  }
0x43: {  	_ =	shalt  }
0x44: {  	_ =	shalt  }
0x45: {  	_ =	shalt  }
0x46: {  	_ =	shalt  }
0x47: {  	_ =	shalt  }
0x48: {  	_ =	shalt  }
0x49: {  	_ =	shalt  }
0x4a: {  	_ =	shalt  }
0x4b: {  	_ =	shalt  }
0x4c: {  	_ =	shalt  }
0x4d: {  	_ =	shalt  }
0x4e: {  	_ =	shalt  }
0x4f: {  	_ =	shalt  }
0x50: {  	_ =	shalt  }
0x51: {  	_ =	shalt  }
0x52: {  	_ =	shalt  }
0x53: {  	_ =	shalt  }
0x54: {  	_ =	shalt  }
0x55: {  	_ =	shalt  }
0x56: {  	_ =	shalt  }
0x57: {  	_ =	shalt  }
0x58: {  	_ =	shalt  }
0x59: {  	_ =	shalt  }
0x5a: {  	_ =	shalt  }
0x5b: {  	_ =	shalt  }
0x5c: {  	_ =	shalt  }
0x5d: {  	_ =	shalt  }
0x5e: {  	_ =	shalt  }
0x5f: {  	_ =	shalt  }
0x60: {  	_ =	shalt  }
0x61: {  	_ =	shalt  }
0x62: {  	_ =	shalt  }
0x63: {  	_ =	shalt  }
0x64: {  	_ =	shalt  }
0x65: {  	_ =	shalt  }
0x66: {  	_ =	shalt  }
0x67: {  	_ =	shalt  }
0x68: {  	_ =	shalt  }
0x69: {  	_ =	shalt  }
0x6a: {  	_ =	shalt  }
0x6b: {  	_ =	shalt  }
0x6c: {  	_ =	shalt  }
0x6d: {  	_ =	shalt  }
0x6e: {  	_ =	shalt  }
0x6f: {  	_ =	shalt  }
0x70: {  	_ =	shalt  }
0x71: {  	_ =	shalt  }
0x72: {  	_ =	shalt  }
0x73: {  	_ =	shalt  }
0x74: {  	_ =	shalt  }
0x75: {  	_ =	shalt  }
0x76: {  	_ =	shalt  }
0x77: {  	_ =	shalt  }
0x78: {  	_ =	shalt  }
0x79: {  	_ =	shalt  }
0x7a: {  	_ =	shalt  }
0x7b: {  	_ =	shalt  }
0x7c: {  	_ =	shalt  }
0x7d: {  	_ =	shalt  }
0x7e: {  	_ =	shalt  }
0x7f: {  	_ =	shalt  }
0x80: {  	_ =	shalt  }
0x81: {  	_ =	shalt  }
0x82: {  	_ =	shalt  }
0x83: {  	_ =	shalt  }
0x84: {  	_ =	shalt  }
0x85: {  	_ =	shalt  }
0x86: {  	_ =	shalt  }
0x87: {  	_ =	shalt  }
.Lfunc_end0:
.L_simem_size_0:
called_computation.1_lowered:
.L_overlay_start_0:
0x88: {  	s2 =	sld [smem:$0x3FD9]  }
0x89: {  	s3 =	sld [smem:$0x3FFE];
	_ =	sdelay $0x1  }
0x8a: {  	s1 =	srdreg.scid  }
0x8b: {  	s0 =	sand.u32 $0x1, s1  }
0x8c: {  	s16 =	sshll.u32 s0, $0xA;
	s2 =	sadd.s32 s3, s2  }
0x8d: {  	s2 =	sadd.s32 s2, s16  }
0x8e: {  	[smem:$0x3FB9] =	sst s2  }
0x8f: {  	_ = 	snop  }
0x90: {  	(tm) =	ssettm $0x1  }
0x91: {  	s17 =	sld [smem:$0x3FFB];
	_ =	sdelay $0x3  }
0x92: {  	_ =	strace s17  }
0x93: {  	s2 =	sld [smem:$0x3FFC];
	_ =	sdelay $0x3  }
0x94: {  	_ =	strace s2  }
0x95: {  	s2 =	sld [smem:$0x3FFD];
	_ =	sdelay $0x3  }
0x96: {  	_ =	strace s2  }
0x97: {  	_ =	strace $0x8FFFFFFF  }
0x98: {  	s18 =	sld [smem:$0x3FDB];
	_ =	sdelay $0x1  }
0x99: {  	s19 =	simm.s32 $_scs_section_size  }
0x9a: {  	s4 =	simm.s32 $_size__tile_overlayer_lowered;
	s5 =	simm.s32 $_tile_overlayer_lowered  }
0x9b: {  	s22 =	simm.s32 $0x1BFF;
	s21 =	sshll.u32 s5, $0x1;
	s2 =	sadd.s32 s19, s18  }
0x9c: {  	s6 =	simm.s32 $0x0;
	s20 =	sshll.u32 s4, $0x1;
	s4 =	sadd.s32 s21, s2  }
0x9d: {  	[timem:s6], [sflag:s22] =	dma.local [hbm:s4], s20  }
0x9e: {  	_ =	swait.ge [sflag:s22], s20  }
0x9f: {  	s3 =	ssub.s32 $0x0, s20;
	[sflag:s22] =	ssyncset.done $0x0  }
0xa0: {  	[sflag:s22] =	ssyncadd.s32 s3;
	_ =	sdelay $0x1  }
0xa1: {  	s23 =	simm.s32 $0x1B8B  }
0xa2: {  	_ =	swait.ge [sflag:s23], $0x1  }
0xa3: {  	[sflag:s23] =	ssyncset.done $0x0  }
0xa4: {  	s25 =	simm.s32 $0x1B8E;
	s24 =	sld [smem:$0x3FFE];
	[sflag:s23] =	ssyncadd.s32 $0xFFFFFFFF  }
0xa5: {  	s26 =	simm.s32 $execute0_lowered;
	[smem:$0x3FD2] =	sst s25  }
0xa6: {  	s4 =	sshll.u32 s26, $0x1;
	_ =	strace $0x80000049;
	[dreg:$0x1] =	wrdreg $0xFFFFFFFF  }
0xa7: {  	s28 =	simm.s32 $_size_execute0_lowered;
	s2 =	sadd.s32 s2, s4;
	[dreg:$0x0] =	wrdreg $0x0  }
0xa8: {  	s4 =	sshll.u32 s28, $0x1;
	[dreg:$0x2] =	wrdreg s2  }
0xa9: {  	[dreg:$0x3] =	wrdreg s4  }
0xaa: {  	[dreg:$0x4] =	wrdreg $0xC0  }
0xab: {  	_ =	task [dreg:s6], $0x5FFFF  }
0xac: {  	[dreg:$0x1] =	wrdreg $0xFFFFFFFF  }
0xad: {  	[dreg:$0x0] =	wrdreg $0x60  }
0xae: {  	[dreg:$0x2] =	wrdreg s24  }
0xaf: {  	[dreg:$0x3] =	wrdreg $0xB0000  }
0xb0: {  	[dreg:$0x4] =	wrdreg $0x9  }
0xb1: {  	_ =	task.clear_ibuf [dreg:s6], $0x5FFFF;
	_ =	strace $0x90000049  }
0xb2: {  	s29 =	simm.s32 $0x9;
	_ =	strace $0x8000004B  }
0xb3: {  	_ =	swait.ge [sflag:s29], $0x1  }
0xb4: {  	[sflag:s29] =	ssyncadd.s32 $0xFFFFFFFF  }
0xb5: {  	_ =	strace $0x9000004B  }
0xb6: {  	_ =	sfence  }
0xb7: {  	s30 =	sld [smem:$0x0];
	_ =	sdelay $0x2  }
0xb8: {  	s31 =	sshll.u32 s1, $0xD;
	s1 =	sshrl.u32 s1, $0x2  }
0xb9: {  	s3 =	sand.u32 $0x4000, s31;
	s1 =	sadd.s32 s1, s30  }
0xba: {  	s0 =	sor.u32 s3, s0;
	s1 =	sshll.u32 s1, $0x11  }
0xbb: {  	s0 =	sor.u32 s1, s0  }
0xbc: {  	s0 =	sadd.s32 $0x8F2B, s0  }
0xbd: {  	[sflag:s0] =	ssyncadd.remote.s32 $0x1  }
0xbe: {  	_ =	sfence.sel $0xFFFF  }
0xbf: {  	[dreg:$0x0] =	wrdreg $0xFFFFFFFF;
	(pc) =	sbr.abs _section_cstart, $3  }
0xc0: {  	[dreg:$0x1] =	wrdreg $0xFFFFFFFF  }
0xc1: {  	_ =	task.clear_ibuf [dreg:s6], $0x2FFFF;
	_ =	strace $0x9FFFFFFF  }
0xc2: {  	(tm) =	ssettm $0x7FFFFFFF  }
0xc3: {  	_ =	shalt  }
tec
execute0_lowered:
.L_overlay_start_1:
0x0: {  	(tag) =	ssettag $0x1  }
0x1: {  	s6 =	rddreg [dreg:$0x0]  }
0x2: {  	s2 =	rddreg [dreg:$0x1]  }
0x3: {  	s1 =	srdreg.scid;
	s0 =	rddreg [dreg:$0x2];
	s3 =	simm.s32 $0x0  }
0x4: {  	s15 =	simm.s32 $0x7000;
	s16 =	simm.s32 $0x1;
	s11 =	sand.u32 $0x1, s1  }
0x5: {  	s17 =	simm.s32 $0x0;
	s1 =	stileid.u32;
	s5 =	smul.u32 $0x140000, s11  }
0x6: {  	[smem:$0x7FF] =	sst s3;
	s4 =	sshll.u32 s11, $0x4;
	s7 =	smul.u32 $0x14000, s1  }
0x7: {  	_ =	strace $0x8000004A;
	s9 =	smul.u32 $0x50000, s1;
	s30 =	ssub.s32 $0x2, s11  }
0x8: {  	s12 =	sshll.u32 s1, $0x6;
	p0 =	sne.s32 s11, $0x0;
	s4 =	sor.u32 s1, s4  }
0x9: {  	s31 =	sshrl.u32 s30, $0x1;
	s8 =	smul.u32 $0x700, s4;
	s4 =	sadd.s32 $0x28C00, s6  }
0xa: {  	s5 =	sadd.s32 s7, s5;
	s9 =	sshrl.u32 s9, $0x2;
	s13 =	ssub.s32 s30, s31  }
.Ltmp0:
0xb: {  	s7 =	sshrl.u32 s5, $0x3;
	s5 =	sadd.s32 $0x10600, s6;
	(pc) =	sbr.rel .LBB2_1-.Ltmp0, $4  }
0xc: {  	s14 =	sadd.s32 s9, s2;
	s8 =	sadd.s32 s8, s6;
	s10 =	sadd.s32 s7, s6  }
0xd: {  	s6 =	sor.u32 $0x1C02, s12;
	s11 =	sshrl.u32 s14, $0x3;
	s12 =	simm.s32 $0x2  }
0xe: {  	s14 =	simm.s32 $0x80;
	s7 =	sadd.s32 $0x1AC00, s8;
	s8 =	sadd.s32 $0x2600, s8  }
0xf: {  	s9 =	sadd.s32 $0x50C00, s10;
	s10 =	smax.u32 s13, $0x1;
	s13 =	simm.s32 $0x3800  }
.LBB2_7:
0x10: {  	s18 =	sshra.s32 s18, $0x2;
	[sflag:s12] =	ssyncadd.s32 $0xFFFFC000  }
0x11: {  	[tilespmem:s15], [sflag:$0x1] =	stream.indirect.gather [hbm4b:s4+s14], $0x80, s18, s14, $0xb8;
	[tilespmem:$0x1F000] =	vst v63  }
0x12: {  	_ =	swait.ge [sflag:s16], $0x4000  }
0x13: {  	[sflag:s16] =	ssyncset.done $0x0  }
0x14: {  	s18 =	sadd.s32 $0x3800, s18;
	[sflag:s16] =	ssyncadd.s32 $0xFFFFC000  }
0x15: {  	[spmem:s2] =	stream.indirect.scatter.add.f32 [tilespmem:s15], [sflag:$0x2], $0x80, s18, s14, $0xb8;
	[tilespmem:$0x1F000] =	vst v63  }
0x16: {  	_ =	swait.ge [sflag:s12], $0x4000  }
0x17: {  	[sflag:s12] =	ssyncset.done $0x0  }
0x18: {  	[sflag:s12] =	ssyncadd.s32 $0xFFFFC000  }
.LBB2_8:
0x19: {  	s17 =	sadd.s32 $0x1, s17  }
0x1a: {  	p1 =	sne.s32 s17, s10  }
.Ltmp1:
0x1b: {  	[bflag:$0x0] =	sbarrier.arrive $0xFFFF;
	(pc) =	sbr.rel @!p1 .LBB2_9-.Ltmp1, $4  }
0x1c: {  	[hbm:s9], [sflag:s6] =	dma.local [spmem:s11], $0x2800  }
0x1d: {  	_ =	swait.ge [sflag:s12], $0x2800  }
0x1e: {  	[sflag:s12] =	ssyncset.done $0x0  }
0x1f: {  	[sflag:s12] =	ssyncadd.s32 $0xFFFFD800  }
.LBB2_1:
0x20: {  	[spmem:s11], [sflag:s6] =	dma.local [hbm:s5], $0x2800  }
0x21: {  	_ =	swait.ge [sflag:s12], $0x2800  }
0x22: {  	[sflag:s12] =	ssyncset.done $0x0  }
0x23: {  	[sflag:s12] =	ssyncadd.s32 $0xFFFFD800  }
0x24: {  	[tilespmem:s3], [sflag:$0x2] =	stream.linear.gather [hbm4b:s7+s3], $0x3600, $0x38;
	[tilespmem:$0x1F000] =	vst v63  }
0x25: {  	_ =	swait.ge [sflag:s12], $0x3600  }
0x26: {  	[sflag:s12] =	ssyncset.done $0x0  }
0x27: {  	[sflag:s12] =	ssyncadd.s32 $0xFFFFCA00  }
0x28: {  	[tilespmem:s13], [sflag:$0x2] =	stream.linear.gather [hbm4b:s8+s3], $0x3600, $0x38;
	[tilespmem:$0x1F000] =	vst v63  }
.Ltmp2:
0x29: {  	_ =	swait.ge [sflag:s12], $0x3600;
	(pc) =	sbr.rel @p0 .LBB2_5-.Ltmp2, $4  }
0x2a: {  	[sflag:s12] =	ssyncset.done $0x0  }
0x2b: {  	[sflag:s12] =	ssyncadd.s32 $0xFFFFCA00  }
0x2c: {  	[bflag:$0x0] =	sbarrier.arrive $0xFFFF  }
0x2d: {  	s18 =	simm.s32 $0x0  }
0x2e: {  	[tilespmem:s15], [sflag:$0x1] =	stream.indirect.gather [hbm4b:s4+s14], $0x80, s18, s14, $0xb8;
	[tilespmem:$0x1F000] =	vst v63  }
0x2f: {  	_ =	swait.ge [sflag:s16], $0x4000  }
0x30: {  	[sflag:s16] =	ssyncset.done $0x0  }
0x31: {  	s31 =	simm.s32 $0x3800;
	[sflag:s16] =	ssyncadd.s32 $0xFFFFC000  }
0x32: {  	[spmem:s2] =	stream.indirect.scatter.add.f32 [tilespmem:s15], [sflag:$0x2], $0x80, s31, s14, $0xb8;
	[tilespmem:$0x1F000] =	vst v63  }
0x33: {  	_ =	swait.ge [sflag:s12], $0x4000  }
0x34: {  	s18 =	simm.s32 $0x200;
	s19 =	simm.s32 $0x400;
	[sflag:s12] =	ssyncset.done $0x0  }
.LBB2_3:
0x35: {  	s20 =	sshra.s32 s18, $0x2  }
0x36: {  	[sflag:s12] =	ssyncadd.s32 $0xFFFFC000;
	s18 =	smov.u32 s19;
	s21 =	sadd.s32 $0x200, s19  }
0x37: {  	[tilespmem:s15], [sflag:$0x1] =	stream.indirect.gather [hbm4b:s4+s14], $0x80, s20, s14, $0xb8;
	[tilespmem:$0x1F000] =	vst v63  }
0x38: {  	p1 =	seq.s32 s19, $0xD600;
	_ =	swait.ge [sflag:s16], $0x4000  }
.Ltmp3:
0x39: {  	[sflag:s16] =	ssyncset.done $0x0;
	(pc) =	sbr.rel @!p1 .LBB2_3-.Ltmp3, $4  }
0x3a: {  	s19 =	sadd.s32 $0x3800, s20;
	[sflag:s16] =	ssyncadd.s32 $0xFFFFC000  }
0x3b: {  	[spmem:s2] =	stream.indirect.scatter.add.f32 [tilespmem:s15], [sflag:$0x2], $0x80, s19, s14, $0xb8;
	[tilespmem:$0x1F000] =	vst v63  }
0x3c: {  	_ =	swait.ge [sflag:s12], $0x4000  }
0x3d: {  	s19 =	smov.u32 s21;
	[sflag:s12] =	ssyncset.done $0x0  }
0x3e: {  	s18 =	sshra.s32 s18, $0x2;
	[sflag:s12] =	ssyncadd.s32 $0xFFFFC000  }
0x3f: {  	[tilespmem:s15], [sflag:$0x1] =	stream.indirect.gather [hbm4b:s4+s14], $0x80, s18, s14, $0xb8;
	[tilespmem:$0x1F000] =	vst v63  }
0x40: {  	_ =	swait.ge [sflag:s16], $0x4000  }
0x41: {  	[sflag:s16] =	ssyncset.done $0x0  }
.Ltmp4:
0x42: {  	s18 =	sadd.s32 $0x3800, s18;
	[sflag:s16] =	ssyncadd.s32 $0xFFFFC000;
	(pc) =	sbr.rel .LBB2_8-.Ltmp4, $4  }
0x43: {  	[spmem:s2] =	stream.indirect.scatter.add.f32 [tilespmem:s15], [sflag:$0x2], $0x80, s18, s14, $0xb8;
	[tilespmem:$0x1F000] =	vst v63  }
0x44: {  	_ =	swait.ge [sflag:s12], $0x4000  }
0x45: {  	[sflag:s12] =	ssyncset.done $0x0  }
0x46: {  	[sflag:s12] =	ssyncadd.s32 $0xFFFFC000  }
.LBB2_5:
0x47: {  	[tilespmem:s15], [sflag:$0x1] =	stream.indirect.gather [hbm4b:s4+s14], $0x80, s18, s14, $0xb8;
	[tilespmem:$0x1F000] =	vst v63  }
0x48: {  	_ =	swait.ge [sflag:s16], $0x4000  }
0x49: {  	[sflag:s16] =	ssyncset.done $0x0  }
0x4a: {  	s31 =	simm.s32 $0x3800;
	[sflag:s16] =	ssyncadd.s32 $0xFFFFC000  }
0x4b: {  	[spmem:s2] =	stream.indirect.scatter.add.f32 [tilespmem:s15], [sflag:$0x2], $0x80, s31, s14, $0xb8;
	[tilespmem:$0x1F000] =	vst v63  }
0x4c: {  	_ =	swait.ge [sflag:s12], $0x4000  }
0x4d: {  	s18 =	simm.s32 $0x200;
	s19 =	simm.s32 $0x400;
	[sflag:s12] =	ssyncset.done $0x0  }
.LBB2_6:
0x4e: {  	s20 =	sshra.s32 s18, $0x2  }
0x4f: {  	[sflag:s12] =	ssyncadd.s32 $0xFFFFC000;
	s18 =	smov.u32 s19;
	s21 =	sadd.s32 $0x200, s19  }
0x50: {  	[tilespmem:s15], [sflag:$0x1] =	stream.indirect.gather [hbm4b:s4+s14], $0x80, s20, s14, $0xb8;
	[tilespmem:$0x1F000] =	vst v63  }
0x51: {  	p1 =	sne.s32 s19, $0x6200;
	_ =	swait.ge [sflag:s16], $0x4000  }
.Ltmp5:
0x52: {  	[sflag:s16] =	ssyncset.done $0x0;
	(pc) =	sbr.rel @p1 .LBB2_6-.Ltmp5, $4  }
0x53: {  	s19 =	sadd.s32 $0x3800, s20;
	[sflag:s16] =	ssyncadd.s32 $0xFFFFC000  }
0x54: {  	[spmem:s2] =	stream.indirect.scatter.add.f32 [tilespmem:s15], [sflag:$0x2], $0x80, s19, s14, $0xb8;
	[tilespmem:$0x1F000] =	vst v63  }
0x55: {  	_ =	swait.ge [sflag:s12], $0x4000  }
0x56: {  	s19 =	smov.u32 s21;
	[sflag:s12] =	ssyncset.done $0x0  }
.Ltmp6:
0x57: {  	_ = 	snop;
	(pc) =	sbr.rel .LBB2_7-.Ltmp6, $1  }
0x58: {  	_ =	sdelay $0x3  }
.LBB2_9:
0x59: {  	_ =	sfence.sel $0x180000  }
0x5a: {  	[bflag:$0x0] =	sbarrier.arrive $0xFFFF  }
0x5b: {  	p0 =	sne.s32 s1, $0x0;
	_ =	strace $0x9000004A  }
0x5c: {  	s0 =	sadd.s32 @!p0 $0x100000, s0;
	[bflag:$0x2] =	sbarrier.arrive $0xFFFF  }
0x5d: {  	[sflag:s0] =	ssyncadd.tile.s32 @!p0 $0x1;
	_ =	shalt  }
.Lfunc_end2:
_tile_overlayer_lowered:
.L_overlay_start_2:
0x5e: {  	(tag) =	ssettag $0x2  }
0x5f: {  	s0 =	rddreg [dreg:$0x0];
	s2 =	stileid.u32  }
0x60: {  	s1 =	rddreg [dreg:$0x1];
	p0 =	sne.s32 s2, $0x0  }
0x61: {  	s3 =	rddreg [dreg:$0x2];
	[bflag:$0x3] =	sbarrier.arrive $0xFFFF;
	s2 =	simm.s32 @!p0 $0x1C02  }
0x62: {  	[timem:s3], [sflag:s2] =	dma.local @!p0 [hbm:s0], s1  }
0x63: {  	s0 =	simm.s32 @!p0 $0x2  }
0x64: {  	_ =	swait.ge @!p0 [sflag:s0], s1  }
0x65: {  	s1 =	ssub.s32 @!p0 $0x0, s1;
	[sflag:s0] =	ssyncset.done @!p0 $0x0  }
0x66: {  	[sflag:s0] =	ssyncadd.s32 @!p0 s1  }
0x67: {  	[bflag:$0x3] =	sbarrier.arrive $0xFFFF  }
0x68: {  	_ =	shalt  }

// kernel: kernel.14.cloned.1.call-start
scs
__scs_entry_jumppad:
0x0: {  	(pc) =	sbr.rel $0x88, $3  }
0x1: {  	(tag) =	ssettag $0x0;
	lr =	simm.s32 $0x1  }
0x2: {  	[smem:$0x3F92] =	sst lr;
	_ =	strace $0xD0000000  }
0x3: {  	_ = 	snop  }
0x4: {  	_ = 	snop  }
0x5: {  	_ = 	snop  }
0x6: {  	_ = 	snop  }
0x7: {  	_ = 	snop  }
__scs_overlays_trampoline_lowered:
0x8: {  	[smem:$0x3FA1] =	sst s0  }
0x9: {  	[smem:$0x3FA2] =	sst s1  }
0xa: {  	[smem:$0x3FA3] =	sst s2  }
0xb: {  	[smem:$0x3FA4] =	sst s3  }
0xc: {  	[smem:$0x3FA5] =	sst s4  }
0xd: {  	[smem:$0x3FA6] =	sst s5  }
0xe: {  	[smem:$0x3FA7] =	sst s6  }
0xf: {  	[smem:$0x3FA8] =	sst s7  }
0x10: {  	[smem:$0x3FA9] =	sst s8  }
0x11: {  	[smem:$0x3FAA] =	sst s9;
	s0 =	simm.s32 @!p0 $0x0  }
0x12: {  	s1 =	sld [smem:$0x3F90];
	s0 =	simm.s32 @p0 $0x1  }
0x13: {  	[smem:$0x3FAB] =	sst s0;
	s0 =	simm.s32 @!p1 $0x0  }
0x14: {  	s2 =	sld [smem:$0x3F8F];
	s0 =	simm.s32 @p1 $0x1  }
0x15: {  	[smem:$0x3FAC] =	sst s0;
	s0 =	simm.s32 @!p2 $0x0  }
0x16: {  	s3 =	sld [smem:$0x3FDB];
	s0 =	simm.s32 @p2 $0x1  }
0x17: {  	s4 =	simm.s32 $0x1BF5;
	[smem:$0x3FAE] =	sst s0  }
0x18: {  	s0 =	sld [smem:$0x3F91];
	_ =	swait.ge [sflag:s4], $0x0  }
0x19: {  	s7 =	sld [smem:$0x3F92]  }
0x1a: {  	s8 =	sadd.s32 $0xFFFFE003, lr  }
0x1b: {  	s9 =	sadd.s32 $0xFFFFFEF7, lr;
	s5 =	simm.s32 $0xFFFFFFFF;
	p2 =	slt.u32 s8, $0xFFFFF086  }
0x1c: {  	p1 =	slt.u32 s9, $0xF7A;
	s5 =	simm.s32 @!p2 $0x0  }
0x1d: {  	s5 =	simm.s32 @p1 $0x1;
	p0 =	seq.s32 s7, s2  }
0x1e: {  	s7 =	smul.u32 @!p0 $0xF7A, s2;
	p2 =	seq.s32 @!p0 s5, $0x0  }
0x1f: {  	s9 =	smul.u32 $0xF7A, s1;
	s8 =	simm.s32 @!p0 $0x1BF5;
	p2 =	por !p2, p0  }
0x20: {  	[sflag:s8] =	ssyncset.s32 @!p0 $0xFFFFF086;
	s6 =	sadd.s32 @!p0 s3, s7;
	s7 =	simm.s32 @!p0 $0x108  }
0x21: {  	s3 =	sadd.s32 s3, s9;
	s6 =	sadd.s32 @!p0 $0x88, s6;
	s7 =	simm.s32 @p2 $0x1082  }
0x22: {  	[simem:s7], [sflag:s8] =	dma.local @!p0 [hbm:s6], $0xF7A  }
0x23: {  	s9 =	sor.u32 $0xD0000000, s2;
	s6 =	simm.s32 $0x108;
	_ =	swait.ge @!p0 [sflag:s8], $0x0  }
0x24: {  	s3 =	sadd.s32 $0x88, s3;
	s6 =	simm.s32 @!p1 $0x1082;
	[sflag:s4] =	ssyncset.s32 $0xFFFFF086  }
0x25: {  	[simem:s6], [sflag:s4] =	dma.local [hbm:s3], $0xF7A  }
0x26: {  	[smem:$0x3F92] =	sst s1;
	(tag) =	ssettag s2;
	_ =	strace s9  }
0x27: {  	s1 =	sld [smem:$0x3FA2]  }
0x28: {  	s2 =	sld [smem:$0x3FA3]  }
0x29: {  	s4 =	sld [smem:$0x3FA5]  }
0x2a: {  	p0 =	seq.s32 s5, $0x0;
	s5 =	sld [smem:$0x3FA6]  }
0x2b: {  	s6 =	sld [smem:$0x3FA7]  }
0x2c: {  	s7 =	sld [smem:$0x3FA8]  }
0x2d: {  	s3 =	simm.s32 $0x108;
	s8 =	sld [smem:$0x3FA9]  }
0x2e: {  	s3 =	simm.s32 @!p0 $0x1082;
	s9 =	sld [smem:$0x3FAA]  }
0x2f: {  	lr =	sadd.s32 s0, s3;
	s0 =	sld [smem:$0x3FA1]  }
0x30: {  	s3 =	sld [smem:$0x3FA4]  }
0x31: {  	[smem:$0x3FAD] =	sst s10  }
0x32: {  	s10 =	sld [smem:$0x3FAB];
	_ =	sdelay $0x3  }
0x33: {  	p0 =	seq.s32 s10, $0x1;
	s10 =	sld [smem:$0x3FAD];
	_ =	sdelay $0x3  }
0x34: {  	[smem:$0x3FAD] =	sst s10  }
0x35: {  	s10 =	sld [smem:$0x3FAC];
	_ =	sdelay $0x3  }
0x36: {  	p1 =	seq.s32 s10, $0x1;
	s10 =	sld [smem:$0x3FAD];
	_ =	sdelay $0x3  }
0x37: {  	[smem:$0x3FAD] =	sst s10  }
0x38: {  	s10 =	sld [smem:$0x3FAE]  }
0x39: {  	_ = 	snop;
	(pc) =	sbr.ind lr, $3  }
0x3a: {  	_ = 	snop  }
0x3b: {  	_ = 	snop  }
0x3c: {  	p2 =	seq.s32 s10, $0x1;
	s10 =	sld [smem:$0x3FAD]  }
0x3d: {  	_ =	shalt  }
0x3e: {  	_ =	shalt  }
0x3f: {  	_ =	shalt  }
0x40: {  	_ =	shalt  }
0x41: {  	_ =	shalt  }
0x42: {  	_ =	shalt  }
0x43: {  	_ =	shalt  }
0x44: {  	_ =	shalt  }
0x45: {  	_ =	shalt  }
0x46: {  	_ =	shalt  }
0x47: {  	_ =	shalt  }
0x48: {  	_ =	shalt  }
0x49: {  	_ =	shalt  }
0x4a: {  	_ =	shalt  }
0x4b: {  	_ =	shalt  }
0x4c: {  	_ =	shalt  }
0x4d: {  	_ =	shalt  }
0x4e: {  	_ =	shalt  }
0x4f: {  	_ =	shalt  }
0x50: {  	_ =	shalt  }
0x51: {  	_ =	shalt  }
0x52: {  	_ =	shalt  }
0x53: {  	_ =	shalt  }
0x54: {  	_ =	shalt  }
0x55: {  	_ =	shalt  }
0x56: {  	_ =	shalt  }
0x57: {  	_ =	shalt  }
0x58: {  	_ =	shalt  }
0x59: {  	_ =	shalt  }
0x5a: {  	_ =	shalt  }
0x5b: {  	_ =	shalt  }
0x5c: {  	_ =	shalt  }
0x5d: {  	_ =	shalt  }
0x5e: {  	_ =	shalt  }
0x5f: {  	_ =	shalt  }
0x60: {  	_ =	shalt  }
0x61: {  	_ =	shalt  }
0x62: {  	_ =	shalt  }
0x63: {  	_ =	shalt  }
0x64: {  	_ =	shalt  }
0x65: {  	_ =	shalt  }
0x66: {  	_ =	shalt  }
0x67: {  	_ =	shalt  }
0x68: {  	_ =	shalt  }
0x69: {  	_ =	shalt  }
0x6a: {  	_ =	shalt  }
0x6b: {  	_ =	shalt  }
0x6c: {  	_ =	shalt  }
0x6d: {  	_ =	shalt  }
0x6e: {  	_ =	shalt  }
0x6f: {  	_ =	shalt  }
0x70: {  	_ =	shalt  }
0x71: {  	_ =	shalt  }
0x72: {  	_ =	shalt  }
0x73: {  	_ =	shalt  }
0x74: {  	_ =	shalt  }
0x75: {  	_ =	shalt  }
0x76: {  	_ =	shalt  }
0x77: {  	_ =	shalt  }
0x78: {  	_ =	shalt  }
0x79: {  	_ =	shalt  }
0x7a: {  	_ =	shalt  }
0x7b: {  	_ =	shalt  }
0x7c: {  	_ =	shalt  }
0x7d: {  	_ =	shalt  }
0x7e: {  	_ =	shalt  }
0x7f: {  	_ =	shalt  }
0x80: {  	_ =	shalt  }
0x81: {  	_ =	shalt  }
0x82: {  	_ =	shalt  }
0x83: {  	_ =	shalt  }
0x84: {  	_ =	shalt  }
0x85: {  	_ =	shalt  }
0x86: {  	_ =	shalt  }
0x87: {  	_ =	shalt  }
.Lfunc_end0:
.L_simem_size_0:
called_computation.2_lowered:
.L_overlay_start_0:
0x88: {  	s2 =	sld [smem:$0x3FD9]  }
0x89: {  	s3 =	sld [smem:$0x3FFE];
	_ =	sdelay $0x1  }
0x8a: {  	s1 =	srdreg.scid  }
0x8b: {  	s0 =	sand.u32 $0x1, s1  }
0x8c: {  	s16 =	sshll.u32 s0, $0xA;
	s2 =	sadd.s32 s3, s2  }
0x8d: {  	s2 =	sadd.s32 s2, s16  }
0x8e: {  	[smem:$0x3FB9] =	sst s2  }
0x8f: {  	_ = 	snop  }
0x90: {  	(tm) =	ssettm $0x1  }
0x91: {  	s17 =	sld [smem:$0x3FFB];
	_ =	sdelay $0x3  }
0x92: {  	_ =	strace s17  }
0x93: {  	s2 =	sld [smem:$0x3FFC];
	_ =	sdelay $0x3  }
0x94: {  	_ =	strace s2  }
0x95: {  	s2 =	sld [smem:$0x3FFD];
	_ =	sdelay $0x3  }
0x96: {  	_ =	strace s2  }
0x97: {  	_ =	strace $0x8FFFFFFF  }
0x98: {  	s18 =	sld [smem:$0x3FDB];
	_ =	sdelay $0x1  }
0x99: {  	s19 =	simm.s32 $_scs_section_size  }
0x9a: {  	s4 =	simm.s32 $_size__tile_overlayer_lowered;
	s5 =	simm.s32 $_tile_overlayer_lowered  }
0x9b: {  	s22 =	simm.s32 $0x1BFF;
	s21 =	sshll.u32 s5, $0x1;
	s2 =	sadd.s32 s19, s18  }
0x9c: {  	s6 =	simm.s32 $0x0;
	s20 =	sshll.u32 s4, $0x1;
	s4 =	sadd.s32 s21, s2  }
0x9d: {  	[timem:s6], [sflag:s22] =	dma.local [hbm:s4], s20  }
0x9e: {  	_ =	swait.ge [sflag:s22], s20  }
0x9f: {  	s3 =	ssub.s32 $0x0, s20;
	[sflag:s22] =	ssyncset.done $0x0  }
0xa0: {  	[sflag:s22] =	ssyncadd.s32 s3;
	_ =	sdelay $0x1  }
0xa1: {  	s23 =	simm.s32 $0x1B8B  }
0xa2: {  	_ =	swait.ge [sflag:s23], $0x1  }
0xa3: {  	[sflag:s23] =	ssyncset.done $0x0  }
0xa4: {  	s25 =	simm.s32 $0x1B8E;
	s24 =	sld [smem:$0x3FFE];
	[sflag:s23] =	ssyncadd.s32 $0xFFFFFFFF  }
0xa5: {  	s26 =	simm.s32 $execute0_lowered;
	[smem:$0x3FD2] =	sst s25  }
0xa6: {  	s4 =	sshll.u32 s26, $0x1;
	_ =	strace $0x8000004C;
	[dreg:$0x1] =	wrdreg $0xFFFFFFFF  }
0xa7: {  	s28 =	simm.s32 $_size_execute0_lowered;
	s2 =	sadd.s32 s2, s4;
	[dreg:$0x0] =	wrdreg $0x0  }
0xa8: {  	s4 =	sshll.u32 s28, $0x1;
	[dreg:$0x2] =	wrdreg s2  }
0xa9: {  	[dreg:$0x3] =	wrdreg s4  }
0xaa: {  	[dreg:$0x4] =	wrdreg $0xC0  }
0xab: {  	_ =	task [dreg:s6], $0x5FFFF  }
0xac: {  	[dreg:$0x1] =	wrdreg $0xFFFFFFFF  }
0xad: {  	[dreg:$0x0] =	wrdreg $0x60  }
0xae: {  	[dreg:$0x2] =	wrdreg s24  }
0xaf: {  	[dreg:$0x3] =	wrdreg $0xB0000  }
0xb0: {  	[dreg:$0x4] =	wrdreg $0x9  }
0xb1: {  	_ =	task.clear_ibuf [dreg:s6], $0x5FFFF;
	_ =	strace $0x9000004C  }
0xb2: {  	s29 =	simm.s32 $0x9;
	_ =	strace $0x8000004E  }
0xb3: {  	_ =	swait.ge [sflag:s29], $0x1  }
0xb4: {  	[sflag:s29] =	ssyncadd.s32 $0xFFFFFFFF  }
0xb5: {  	_ =	strace $0x9000004E  }
0xb6: {  	_ =	sfence  }
0xb7: {  	s30 =	sld [smem:$0x0];
	_ =	sdelay $0x2  }
0xb8: {  	s31 =	sshll.u32 s1, $0xD;
	s1 =	sshrl.u32 s1, $0x2  }
0xb9: {  	s3 =	sand.u32 $0x4000, s31;
	s1 =	sadd.s32 s1, s30  }
0xba: {  	s0 =	sor.u32 s3, s0;
	s1 =	sshll.u32 s1, $0x11  }
0xbb: {  	s0 =	sor.u32 s1, s0  }
0xbc: {  	s0 =	sadd.s32 $0x8F2B, s0  }
0xbd: {  	[sflag:s0] =	ssyncadd.remote.s32 $0x1  }
0xbe: {  	_ =	sfence.sel $0xFFFF  }
0xbf: {  	[dreg:$0x0] =	wrdreg $0xFFFFFFFF;
	(pc) =	sbr.abs _section_cstart, $3  }
0xc0: {  	[dreg:$0x1] =	wrdreg $0xFFFFFFFF  }
0xc1: {  	_ =	task.clear_ibuf [dreg:s6], $0x2FFFF;
	_ =	strace $0x9FFFFFFF  }
0xc2: {  	(tm) =	ssettm $0x7FFFFFFF  }
0xc3: {  	_ =	shalt  }
tec
execute0_lowered:
.L_overlay_start_1:
0x0: {  	(tag) =	ssettag $0x1  }
0x1: {  	s6 =	rddreg [dreg:$0x0]  }
0x2: {  	s2 =	rddreg [dreg:$0x1]  }
0x3: {  	s1 =	srdreg.scid;
	s0 =	rddreg [dreg:$0x2];
	s3 =	simm.s32 $0x0  }
0x4: {  	s15 =	simm.s32 $0x7000;
	s16 =	simm.s32 $0x1;
	s11 =	sand.u32 $0x1, s1  }
0x5: {  	s17 =	simm.s32 $0x0;
	s1 =	stileid.u32;
	s5 =	smul.u32 $0x140000, s11  }
0x6: {  	[smem:$0x7FF] =	sst s3;
	s4 =	sshll.u32 s11, $0x4;
	s7 =	smul.u32 $0x14000, s1  }
0x7: {  	_ =	strace $0x8000004D;
	s9 =	smul.u32 $0x50000, s1;
	s30 =	ssub.s32 $0x2, s11  }
0x8: {  	s12 =	sshll.u32 s1, $0x6;
	p0 =	sne.s32 s11, $0x0;
	s4 =	sor.u32 s1, s4  }
0x9: {  	s31 =	sshrl.u32 s30, $0x1;
	s8 =	smul.u32 $0x700, s4;
	s4 =	sadd.s32 $0x28C00, s6  }
0xa: {  	s5 =	sadd.s32 s7, s5;
	s9 =	sshrl.u32 s9, $0x2;
	s13 =	ssub.s32 s30, s31  }
.Ltmp0:
0xb: {  	s7 =	sshrl.u32 s5, $0x3;
	s5 =	sadd.s32 $0x10600, s6;
	(pc) =	sbr.rel .LBB2_1-.Ltmp0, $4  }
0xc: {  	s14 =	sadd.s32 s9, s2;
	s8 =	sadd.s32 s8, s6;
	s10 =	sadd.s32 s7, s6  }
0xd: {  	s6 =	sor.u32 $0x1C02, s12;
	s11 =	sshrl.u32 s14, $0x3;
	s12 =	simm.s32 $0x2  }
0xe: {  	s14 =	simm.s32 $0x80;
	s7 =	sadd.s32 $0x1AC00, s8;
	s8 =	sadd.s32 $0x2600, s8  }
0xf: {  	s9 =	sadd.s32 $0x50C00, s10;
	s10 =	smax.u32 s13, $0x1;
	s13 =	simm.s32 $0x3800  }
.LBB2_7:
0x10: {  	s18 =	sshra.s32 s18, $0x2;
	[sflag:s12] =	ssyncadd.s32 $0xFFFFC000  }
0x11: {  	[tilespmem:s15], [sflag:$0x1] =	stream.indirect.gather [hbm4b:s4+s14], $0x80, s18, s14, $0xb8;
	[tilespmem:$0x1F000] =	vst v63  }
0x12: {  	_ =	swait.ge [sflag:s16], $0x4000  }
0x13: {  	[sflag:s16] =	ssyncset.done $0x0  }
0x14: {  	s18 =	sadd.s32 $0x3800, s18;
	[sflag:s16] =	ssyncadd.s32 $0xFFFFC000  }
0x15: {  	[spmem:s2] =	stream.indirect.scatter.add.f32 [tilespmem:s15], [sflag:$0x2], $0x80, s18, s14, $0xb8;
	[tilespmem:$0x1F000] =	vst v63  }
0x16: {  	_ =	swait.ge [sflag:s12], $0x4000  }
0x17: {  	[sflag:s12] =	ssyncset.done $0x0  }
0x18: {  	[sflag:s12] =	ssyncadd.s32 $0xFFFFC000  }
.LBB2_8:
0x19: {  	s17 =	sadd.s32 $0x1, s17  }
0x1a: {  	p1 =	sne.s32 s17, s10  }
.Ltmp1:
0x1b: {  	[bflag:$0x0] =	sbarrier.arrive $0xFFFF;
	(pc) =	sbr.rel @!p1 .LBB2_9-.Ltmp1, $4  }
0x1c: {  	[hbm:s9], [sflag:s6] =	dma.local [spmem:s11], $0x2800  }
0x1d: {  	_ =	swait.ge [sflag:s12], $0x2800  }
0x1e: {  	[sflag:s12] =	ssyncset.done $0x0  }
0x1f: {  	[sflag:s12] =	ssyncadd.s32 $0xFFFFD800  }
.LBB2_1:
0x20: {  	[spmem:s11], [sflag:s6] =	dma.local [hbm:s5], $0x2800  }
0x21: {  	_ =	swait.ge [sflag:s12], $0x2800  }
0x22: {  	[sflag:s12] =	ssyncset.done $0x0  }
0x23: {  	[sflag:s12] =	ssyncadd.s32 $0xFFFFD800  }
0x24: {  	[tilespmem:s3], [sflag:$0x2] =	stream.linear.gather [hbm4b:s7+s3], $0x3600, $0x38;
	[tilespmem:$0x1F000] =	vst v63  }
0x25: {  	_ =	swait.ge [sflag:s12], $0x3600  }
0x26: {  	[sflag:s12] =	ssyncset.done $0x0  }
0x27: {  	[sflag:s12] =	ssyncadd.s32 $0xFFFFCA00  }
0x28: {  	[tilespmem:s13], [sflag:$0x2] =	stream.linear.gather [hbm4b:s8+s3], $0x3600, $0x38;
	[tilespmem:$0x1F000] =	vst v63  }
.Ltmp2:
0x29: {  	_ =	swait.ge [sflag:s12], $0x3600;
	(pc) =	sbr.rel @p0 .LBB2_5-.Ltmp2, $4  }
0x2a: {  	[sflag:s12] =	ssyncset.done $0x0  }
0x2b: {  	[sflag:s12] =	ssyncadd.s32 $0xFFFFCA00  }
0x2c: {  	[bflag:$0x0] =	sbarrier.arrive $0xFFFF  }
0x2d: {  	s18 =	simm.s32 $0x0  }
0x2e: {  	[tilespmem:s15], [sflag:$0x1] =	stream.indirect.gather [hbm4b:s4+s14], $0x80, s18, s14, $0xb8;
	[tilespmem:$0x1F000] =	vst v63  }
0x2f: {  	_ =	swait.ge [sflag:s16], $0x4000  }
0x30: {  	[sflag:s16] =	ssyncset.done $0x0  }
0x31: {  	s31 =	simm.s32 $0x3800;
	[sflag:s16] =	ssyncadd.s32 $0xFFFFC000  }
0x32: {  	[spmem:s2] =	stream.indirect.scatter.add.f32 [tilespmem:s15], [sflag:$0x2], $0x80, s31, s14, $0xb8;
	[tilespmem:$0x1F000] =	vst v63  }
0x33: {  	_ =	swait.ge [sflag:s12], $0x4000  }
0x34: {  	s18 =	simm.s32 $0x200;
	s19 =	simm.s32 $0x400;
	[sflag:s12] =	ssyncset.done $0x0  }
.LBB2_3:
0x35: {  	s20 =	sshra.s32 s18, $0x2  }
0x36: {  	[sflag:s12] =	ssyncadd.s32 $0xFFFFC000;
	s18 =	smov.u32 s19;
	s21 =	sadd.s32 $0x200, s19  }
0x37: {  	[tilespmem:s15], [sflag:$0x1] =	stream.indirect.gather [hbm4b:s4+s14], $0x80, s20, s14, $0xb8;
	[tilespmem:$0x1F000] =	vst v63  }
0x38: {  	p1 =	seq.s32 s19, $0xD600;
	_ =	swait.ge [sflag:s16], $0x4000  }
.Ltmp3:
0x39: {  	[sflag:s16] =	ssyncset.done $0x0;
	(pc) =	sbr.rel @!p1 .LBB2_3-.Ltmp3, $4  }
0x3a: {  	s19 =	sadd.s32 $0x3800, s20;
	[sflag:s16] =	ssyncadd.s32 $0xFFFFC000  }
0x3b: {  	[spmem:s2] =	stream.indirect.scatter.add.f32 [tilespmem:s15], [sflag:$0x2], $0x80, s19, s14, $0xb8;
	[tilespmem:$0x1F000] =	vst v63  }
0x3c: {  	_ =	swait.ge [sflag:s12], $0x4000  }
0x3d: {  	s19 =	smov.u32 s21;
	[sflag:s12] =	ssyncset.done $0x0  }
0x3e: {  	s18 =	sshra.s32 s18, $0x2;
	[sflag:s12] =	ssyncadd.s32 $0xFFFFC000  }
0x3f: {  	[tilespmem:s15], [sflag:$0x1] =	stream.indirect.gather [hbm4b:s4+s14], $0x80, s18, s14, $0xb8;
	[tilespmem:$0x1F000] =	vst v63  }
0x40: {  	_ =	swait.ge [sflag:s16], $0x4000  }
0x41: {  	[sflag:s16] =	ssyncset.done $0x0  }
.Ltmp4:
0x42: {  	s18 =	sadd.s32 $0x3800, s18;
	[sflag:s16] =	ssyncadd.s32 $0xFFFFC000;
	(pc) =	sbr.rel .LBB2_8-.Ltmp4, $4  }
0x43: {  	[spmem:s2] =	stream.indirect.scatter.add.f32 [tilespmem:s15], [sflag:$0x2], $0x80, s18, s14, $0xb8;
	[tilespmem:$0x1F000] =	vst v63  }
0x44: {  	_ =	swait.ge [sflag:s12], $0x4000  }
0x45: {  	[sflag:s12] =	ssyncset.done $0x0  }
0x46: {  	[sflag:s12] =	ssyncadd.s32 $0xFFFFC000  }
.LBB2_5:
0x47: {  	[tilespmem:s15], [sflag:$0x1] =	stream.indirect.gather [hbm4b:s4+s14], $0x80, s18, s14, $0xb8;
	[tilespmem:$0x1F000] =	vst v63  }
0x48: {  	_ =	swait.ge [sflag:s16], $0x4000  }
0x49: {  	[sflag:s16] =	ssyncset.done $0x0  }
0x4a: {  	s31 =	simm.s32 $0x3800;
	[sflag:s16] =	ssyncadd.s32 $0xFFFFC000  }
0x4b: {  	[spmem:s2] =	stream.indirect.scatter.add.f32 [tilespmem:s15], [sflag:$0x2], $0x80, s31, s14, $0xb8;
	[tilespmem:$0x1F000] =	vst v63  }
0x4c: {  	_ =	swait.ge [sflag:s12], $0x4000  }
0x4d: {  	s18 =	simm.s32 $0x200;
	s19 =	simm.s32 $0x400;
	[sflag:s12] =	ssyncset.done $0x0  }
.LBB2_6:
0x4e: {  	s20 =	sshra.s32 s18, $0x2  }
0x4f: {  	[sflag:s12] =	ssyncadd.s32 $0xFFFFC000;
	s18 =	smov.u32 s19;
	s21 =	sadd.s32 $0x200, s19  }
0x50: {  	[tilespmem:s15], [sflag:$0x1] =	stream.indirect.gather [hbm4b:s4+s14], $0x80, s20, s14, $0xb8;
	[tilespmem:$0x1F000] =	vst v63  }
0x51: {  	p1 =	sne.s32 s19, $0x6200;
	_ =	swait.ge [sflag:s16], $0x4000  }
.Ltmp5:
0x52: {  	[sflag:s16] =	ssyncset.done $0x0;
	(pc) =	sbr.rel @p1 .LBB2_6-.Ltmp5, $4  }
0x53: {  	s19 =	sadd.s32 $0x3800, s20;
	[sflag:s16] =	ssyncadd.s32 $0xFFFFC000  }
0x54: {  	[spmem:s2] =	stream.indirect.scatter.add.f32 [tilespmem:s15], [sflag:$0x2], $0x80, s19, s14, $0xb8;
	[tilespmem:$0x1F000] =	vst v63  }
0x55: {  	_ =	swait.ge [sflag:s12], $0x4000  }
0x56: {  	s19 =	smov.u32 s21;
	[sflag:s12] =	ssyncset.done $0x0  }
.Ltmp6:
0x57: {  	_ = 	snop;
	(pc) =	sbr.rel .LBB2_7-.Ltmp6, $1  }
0x58: {  	_ =	sdelay $0x3  }
.LBB2_9:
0x59: {  	_ =	sfence.sel $0x180000  }
0x5a: {  	[bflag:$0x0] =	sbarrier.arrive $0xFFFF  }
0x5b: {  	p0 =	sne.s32 s1, $0x0;
	_ =	strace $0x9000004D  }
0x5c: {  	s0 =	sadd.s32 @!p0 $0x100000, s0;
	[bflag:$0x2] =	sbarrier.arrive $0xFFFF  }
0x5d: {  	[sflag:s0] =	ssyncadd.tile.s32 @!p0 $0x1;
	_ =	shalt  }
.Lfunc_end2:
_tile_overlayer_lowered:
.L_overlay_start_2:
0x5e: {  	(tag) =	ssettag $0x2  }
0x5f: {  	s0 =	rddreg [dreg:$0x0];
	s2 =	stileid.u32  }
0x60: {  	s1 =	rddreg [dreg:$0x1];
	p0 =	sne.s32 s2, $0x0  }
0x61: {  	s3 =	rddreg [dreg:$0x2];
	[bflag:$0x3] =	sbarrier.arrive $0xFFFF;
	s2 =	simm.s32 @!p0 $0x1C02  }
0x62: {  	[timem:s3], [sflag:s2] =	dma.local @!p0 [hbm:s0], s1  }
0x63: {  	s0 =	simm.s32 @!p0 $0x2  }
0x64: {  	_ =	swait.ge @!p0 [sflag:s0], s1  }
0x65: {  	s1 =	ssub.s32 @!p0 $0x0, s1;
	[sflag:s0] =	ssyncset.done @!p0 $0x0  }
0x66: {  	[sflag:s0] =	ssyncadd.s32 @!p0 s1  }
0x67: {  	[bflag:$0x3] =	sbarrier.arrive $0xFFFF  }
0x68: {  	_ =	shalt  }

// kernel: kernel.8.cloned.1.call-start
scs
__scs_entry_jumppad:
0x0: {  	(pc) =	sbr.rel $0x88, $3  }
0x1: {  	(tag) =	ssettag $0x0;
	lr =	simm.s32 $0x1  }
0x2: {  	[smem:$0x3F92] =	sst lr;
	_ =	strace $0xD0000000  }
0x3: {  	_ = 	snop  }
0x4: {  	_ = 	snop  }
0x5: {  	_ = 	snop  }
0x6: {  	_ = 	snop  }
0x7: {  	_ = 	snop  }
__scs_overlays_trampoline_lowered:
0x8: {  	[smem:$0x3FA1] =	sst s0  }
0x9: {  	[smem:$0x3FA2] =	sst s1  }
0xa: {  	[smem:$0x3FA3] =	sst s2  }
0xb: {  	[smem:$0x3FA4] =	sst s3  }
0xc: {  	[smem:$0x3FA5] =	sst s4  }
0xd: {  	[smem:$0x3FA6] =	sst s5  }
0xe: {  	[smem:$0x3FA7] =	sst s6  }
0xf: {  	[smem:$0x3FA8] =	sst s7  }
0x10: {  	[smem:$0x3FA9] =	sst s8  }
0x11: {  	[smem:$0x3FAA] =	sst s9;
	s0 =	simm.s32 @!p0 $0x0  }
0x12: {  	s1 =	sld [smem:$0x3F90];
	s0 =	simm.s32 @p0 $0x1  }
0x13: {  	[smem:$0x3FAB] =	sst s0;
	s0 =	simm.s32 @!p1 $0x0  }
0x14: {  	s2 =	sld [smem:$0x3F8F];
	s0 =	simm.s32 @p1 $0x1  }
0x15: {  	[smem:$0x3FAC] =	sst s0;
	s0 =	simm.s32 @!p2 $0x0  }
0x16: {  	s3 =	sld [smem:$0x3FDB];
	s0 =	simm.s32 @p2 $0x1  }
0x17: {  	s4 =	simm.s32 $0x1BF5;
	[smem:$0x3FAE] =	sst s0  }
0x18: {  	s0 =	sld [smem:$0x3F91];
	_ =	swait.ge [sflag:s4], $0x0  }
0x19: {  	s7 =	sld [smem:$0x3F92]  }
0x1a: {  	s8 =	sadd.s32 $0xFFFFE003, lr  }
0x1b: {  	s9 =	sadd.s32 $0xFFFFFEF7, lr;
	s5 =	simm.s32 $0xFFFFFFFF;
	p2 =	slt.u32 s8, $0xFFFFF086  }
0x1c: {  	p1 =	slt.u32 s9, $0xF7A;
	s5 =	simm.s32 @!p2 $0x0  }
0x1d: {  	s5 =	simm.s32 @p1 $0x1;
	p0 =	seq.s32 s7, s2  }
0x1e: {  	s7 =	smul.u32 @!p0 $0xF7A, s2;
	p2 =	seq.s32 @!p0 s5, $0x0  }
0x1f: {  	s9 =	smul.u32 $0xF7A, s1;
	s8 =	simm.s32 @!p0 $0x1BF5;
	p2 =	por !p2, p0  }
0x20: {  	[sflag:s8] =	ssyncset.s32 @!p0 $0xFFFFF086;
	s6 =	sadd.s32 @!p0 s3, s7;
	s7 =	simm.s32 @!p0 $0x108  }
0x21: {  	s3 =	sadd.s32 s3, s9;
	s6 =	sadd.s32 @!p0 $0x88, s6;
	s7 =	simm.s32 @p2 $0x1082  }
0x22: {  	[simem:s7], [sflag:s8] =	dma.local @!p0 [hbm:s6], $0xF7A  }
0x23: {  	s9 =	sor.u32 $0xD0000000, s2;
	s6 =	simm.s32 $0x108;
	_ =	swait.ge @!p0 [sflag:s8], $0x0  }
0x24: {  	s3 =	sadd.s32 $0x88, s3;
	s6 =	simm.s32 @!p1 $0x1082;
	[sflag:s4] =	ssyncset.s32 $0xFFFFF086  }
0x25: {  	[simem:s6], [sflag:s4] =	dma.local [hbm:s3], $0xF7A  }
0x26: {  	[smem:$0x3F92] =	sst s1;
	(tag) =	ssettag s2;
	_ =	strace s9  }
0x27: {  	s1 =	sld [smem:$0x3FA2]  }
0x28: {  	s2 =	sld [smem:$0x3FA3]  }
0x29: {  	s4 =	sld [smem:$0x3FA5]  }
0x2a: {  	p0 =	seq.s32 s5, $0x0;
	s5 =	sld [smem:$0x3FA6]  }
0x2b: {  	s6 =	sld [smem:$0x3FA7]  }
0x2c: {  	s7 =	sld [smem:$0x3FA8]  }
0x2d: {  	s3 =	simm.s32 $0x108;
	s8 =	sld [smem:$0x3FA9]  }
0x2e: {  	s3 =	simm.s32 @!p0 $0x1082;
	s9 =	sld [smem:$0x3FAA]  }
0x2f: {  	lr =	sadd.s32 s0, s3;
	s0 =	sld [smem:$0x3FA1]  }
0x30: {  	s3 =	sld [smem:$0x3FA4]  }
0x31: {  	[smem:$0x3FAD] =	sst s10  }
0x32: {  	s10 =	sld [smem:$0x3FAB];
	_ =	sdelay $0x3  }
0x33: {  	p0 =	seq.s32 s10, $0x1;
	s10 =	sld [smem:$0x3FAD];
	_ =	sdelay $0x3  }
0x34: {  	[smem:$0x3FAD] =	sst s10  }
0x35: {  	s10 =	sld [smem:$0x3FAC];
	_ =	sdelay $0x3  }
0x36: {  	p1 =	seq.s32 s10, $0x1;
	s10 =	sld [smem:$0x3FAD];
	_ =	sdelay $0x3  }
0x37: {  	[smem:$0x3FAD] =	sst s10  }
0x38: {  	s10 =	sld [smem:$0x3FAE]  }
0x39: {  	_ = 	snop;
	(pc) =	sbr.ind lr, $3  }
0x3a: {  	_ = 	snop  }
0x3b: {  	_ = 	snop  }
0x3c: {  	p2 =	seq.s32 s10, $0x1;
	s10 =	sld [smem:$0x3FAD]  }
0x3d: {  	_ =	shalt  }
0x3e: {  	_ =	shalt  }
0x3f: {  	_ =	shalt  }
0x40: {  	_ =	shalt  }
0x41: {  	_ =	shalt  }
0x42: {  	_ =	shalt  }
0x43: {  	_ =	shalt  }
0x44: {  	_ =	shalt  }
0x45: {  	_ =	shalt  }
0x46: {  	_ =	shalt  }
0x47: {  	_ =	shalt  }
0x48: {  	_ =	shalt  }
0x49: {  	_ =	shalt  }
0x4a: {  	_ =	shalt  }
0x4b: {  	_ =	shalt  }
0x4c: {  	_ =	shalt  }
0x4d: {  	_ =	shalt  }
0x4e: {  	_ =	shalt  }
0x4f: {  	_ =	shalt  }
0x50: {  	_ =	shalt  }
0x51: {  	_ =	shalt  }
0x52: {  	_ =	shalt  }
0x53: {  	_ =	shalt  }
0x54: {  	_ =	shalt  }
0x55: {  	_ =	shalt  }
0x56: {  	_ =	shalt  }
0x57: {  	_ =	shalt  }
0x58: {  	_ =	shalt  }
0x59: {  	_ =	shalt  }
0x5a: {  	_ =	shalt  }
0x5b: {  	_ =	shalt  }
0x5c: {  	_ =	shalt  }
0x5d: {  	_ =	shalt  }
0x5e: {  	_ =	shalt  }
0x5f: {  	_ =	shalt  }
0x60: {  	_ =	shalt  }
0x61: {  	_ =	shalt  }
0x62: {  	_ =	shalt  }
0x63: {  	_ =	shalt  }
0x64: {  	_ =	shalt  }
0x65: {  	_ =	shalt  }
0x66: {  	_ =	shalt  }
0x67: {  	_ =	shalt  }
0x68: {  	_ =	shalt  }
0x69: {  	_ =	shalt  }
0x6a: {  	_ =	shalt  }
0x6b: {  	_ =	shalt  }
0x6c: {  	_ =	shalt  }
0x6d: {  	_ =	shalt  }
0x6e: {  	_ =	shalt  }
0x6f: {  	_ =	shalt  }
0x70: {  	_ =	shalt  }
0x71: {  	_ =	shalt  }
0x72: {  	_ =	shalt  }
0x73: {  	_ =	shalt  }
0x74: {  	_ =	shalt  }
0x75: {  	_ =	shalt  }
0x76: {  	_ =	shalt  }
0x77: {  	_ =	shalt  }
0x78: {  	_ =	shalt  }
0x79: {  	_ =	shalt  }
0x7a: {  	_ =	shalt  }
0x7b: {  	_ =	shalt  }
0x7c: {  	_ =	shalt  }
0x7d: {  	_ =	shalt  }
0x7e: {  	_ =	shalt  }
0x7f: {  	_ =	shalt  }
0x80: {  	_ =	shalt  }
0x81: {  	_ =	shalt  }
0x82: {  	_ =	shalt  }
0x83: {  	_ =	shalt  }
0x84: {  	_ =	shalt  }
0x85: {  	_ =	shalt  }
0x86: {  	_ =	shalt  }
0x87: {  	_ =	shalt  }
.Lfunc_end0:
.L_simem_size_0:
called_computation_lowered:
.L_overlay_start_0:
0x88: {  	s2 =	sld [smem:$0x3FD9]  }
0x89: {  	s3 =	sld [smem:$0x3FFE];
	_ =	sdelay $0x1  }
0x8a: {  	s1 =	srdreg.scid  }
0x8b: {  	s0 =	sand.u32 $0x1, s1  }
0x8c: {  	s16 =	sshll.u32 s0, $0xA;
	s2 =	sadd.s32 s3, s2  }
0x8d: {  	s2 =	sadd.s32 s2, s16  }
0x8e: {  	[smem:$0x3FB9] =	sst s2  }
0x8f: {  	_ = 	snop  }
0x90: {  	(tm) =	ssettm $0x1  }
0x91: {  	s17 =	sld [smem:$0x3FFB];
	_ =	sdelay $0x3  }
0x92: {  	_ =	strace s17  }
0x93: {  	s2 =	sld [smem:$0x3FFC];
	_ =	sdelay $0x3  }
0x94: {  	_ =	strace s2  }
0x95: {  	s2 =	sld [smem:$0x3FFD];
	_ =	sdelay $0x3  }
0x96: {  	_ =	strace s2  }
0x97: {  	_ =	strace $0x8FFFFFFF  }
0x98: {  	s18 =	sld [smem:$0x3FDB];
	_ =	sdelay $0x1  }
0x99: {  	s19 =	simm.s32 $_scs_section_size  }
0x9a: {  	s4 =	simm.s32 $_size__tile_overlayer_lowered;
	s5 =	simm.s32 $_tile_overlayer_lowered  }
0x9b: {  	s22 =	simm.s32 $0x1BFF;
	s21 =	sshll.u32 s5, $0x1;
	s2 =	sadd.s32 s19, s18  }
0x9c: {  	s6 =	simm.s32 $0x0;
	s20 =	sshll.u32 s4, $0x1;
	s4 =	sadd.s32 s21, s2  }
0x9d: {  	[timem:s6], [sflag:s22] =	dma.local [hbm:s4], s20  }
0x9e: {  	_ =	swait.ge [sflag:s22], s20  }
0x9f: {  	s3 =	ssub.s32 $0x0, s20;
	[sflag:s22] =	ssyncset.done $0x0  }
0xa0: {  	[sflag:s22] =	ssyncadd.s32 s3;
	_ =	sdelay $0x1  }
0xa1: {  	s23 =	simm.s32 $0x1B8B  }
0xa2: {  	_ =	swait.ge [sflag:s23], $0x1  }
0xa3: {  	[sflag:s23] =	ssyncset.done $0x0  }
0xa4: {  	s25 =	simm.s32 $0x1B8E;
	s24 =	sld [smem:$0x3FFE];
	[sflag:s23] =	ssyncadd.s32 $0xFFFFFFFF  }
0xa5: {  	s26 =	simm.s32 $execute0_lowered;
	[smem:$0x3FD2] =	sst s25  }
0xa6: {  	s4 =	sshll.u32 s26, $0x1;
	_ =	strace $0x80000046;
	[dreg:$0x1] =	wrdreg $0xFFFFFFFF  }
0xa7: {  	s28 =	simm.s32 $_size_execute0_lowered;
	s2 =	sadd.s32 s2, s4;
	[dreg:$0x0] =	wrdreg $0x0  }
0xa8: {  	s4 =	sshll.u32 s28, $0x1;
	[dreg:$0x2] =	wrdreg s2  }
0xa9: {  	[dreg:$0x3] =	wrdreg s4  }
0xaa: {  	[dreg:$0x4] =	wrdreg $0xC0  }
0xab: {  	_ =	task [dreg:s6], $0x5FFFF  }
0xac: {  	[dreg:$0x1] =	wrdreg $0xFFFFFFFF  }
0xad: {  	[dreg:$0x0] =	wrdreg $0x60  }
0xae: {  	[dreg:$0x2] =	wrdreg s24  }
0xaf: {  	[dreg:$0x3] =	wrdreg $0x9  }
0xb0: {  	_ =	task.clear_ibuf [dreg:s6], $0x4FFFF;
	_ =	strace $0x90000046  }
0xb1: {  	s29 =	simm.s32 $0x9;
	_ =	strace $0x80000048  }
0xb2: {  	_ =	swait.ge [sflag:s29], $0x1  }
0xb3: {  	[sflag:s29] =	ssyncadd.s32 $0xFFFFFFFF  }
0xb4: {  	_ =	strace $0x90000048  }
0xb5: {  	_ =	sfence  }
0xb6: {  	s30 =	sld [smem:$0x0];
	_ =	sdelay $0x2  }
0xb7: {  	s31 =	sshll.u32 s1, $0xD;
	s1 =	sshrl.u32 s1, $0x2  }
0xb8: {  	s3 =	sand.u32 $0x4000, s31;
	s1 =	sadd.s32 s1, s30  }
0xb9: {  	s0 =	sor.u32 s3, s0;
	s1 =	sshll.u32 s1, $0x11  }
0xba: {  	s0 =	sor.u32 s1, s0  }
0xbb: {  	s0 =	sadd.s32 $0x8F2B, s0  }
0xbc: {  	[sflag:s0] =	ssyncadd.remote.s32 $0x1  }
0xbd: {  	_ =	sfence.sel $0xFFFF  }
0xbe: {  	[dreg:$0x0] =	wrdreg $0xFFFFFFFF;
	(pc) =	sbr.abs _section_cstart, $3  }
0xbf: {  	[dreg:$0x1] =	wrdreg $0xFFFFFFFF  }
0xc0: {  	_ =	task.clear_ibuf [dreg:s6], $0x2FFFF;
	_ =	strace $0x9FFFFFFF  }
0xc1: {  	(tm) =	ssettm $0x7FFFFFFF  }
tec
execute0_lowered:
.L_overlay_start_1:
0x0: {  	(tag) =	ssettag $0x1  }
0x1: {  	s0 =	srdreg.scid;
	s4 =	rddreg [dreg:$0x0];
	s2 =	simm.s32 $0x0  }
0x2: {  	s10 =	simm.s32 $0x400;
	s11 =	simm.s32 $0x0;
	s7 =	sand.u32 $0x1, s0  }
0x3: {  	s0 =	stileid.u32;
	[smem:$0x7FF] =	sst s2;
	s1 =	sshll.u32 s7, $0x4  }
0x4: {  	s6 =	sshll.u32 s0, $0x7;
	s31 =	ssub.s32 $0x2, s7;
	s3 =	sor.u32 s0, s1  }
0x5: {  	p0 =	sne.s32 s7, $0x0;
	s5 =	sshrl.u32 s3, $0x3;
	s3 =	smul.u32 $0x700, s3  }
0x6: {  	s7 =	simm.s32 $0x3800;
	s1 =	rddreg [dreg:$0x1];
	s5 =	smul.u32 $0x14000, s5  }
.Ltmp0:
0x7: {  	s6 =	sand.u32 $0x380, s6;
	_ =	strace $0x80000047;
	(pc) =	sbr.rel .LBB2_1-.Ltmp0, $4  }
0x8: {  	s9 =	sshrl.u32 s31, $0x1;
	s8 =	sadd.s32 s3, s4;
	s5 =	sor.u32 s6, s5  }
0x9: {  	s3 =	sadd.s32 $0x10600, s4;
	s6 =	ssub.s32 s31, s9;
	s5 =	sshrl.u32 s5, $0x3  }
0xa: {  	s9 =	simm.s32 $0x80;
	s6 =	smax.u32 s6, $0x1;
	s5 =	sadd.s32 s5, s4  }
0xb: {  	v0 =	vimm.f32 $1.000000000e+00;
	s4 =	sadd.s32 $0x2600, s8;
	s8 =	simm.s32 $0x1;
	s5 =	sadd.s32 $0x10C00, s5  }
.LBB2_4:
0xc: {  	s11 =	sadd.s32 $0x1, s11  }
0xd: {  	p1 =	sne.s32 s11, s6  }
.Ltmp1:
0xe: {  	_ = 	snop;
	(pc) =	sbr.rel @!p1 .LBB2_5-.Ltmp1, $4  }
0xf: {  	[hbm4b:s5+s9] =	stream.strided.scatter [tilespmem:s7], [sflag:$0x1], $0x2800, s10, s9, $0x38;
	[tilespmem:$0x6000] =	vst v63  }
0x10: {  	_ =	swait.ge [sflag:s8], $0x2800  }
0x11: {  	[sflag:s8] =	ssyncset.done $0x0  }
0x12: {  	[sflag:s8] =	ssyncadd.s32 $0xFFFFD800  }
.LBB2_1:
0x13: {  	[tilespmem:s7], [sflag:$0x1] =	stream.linear.gather [hbm4b:s3+s2], $0x2800, $0x38;
	[tilespmem:$0x6000] =	vst v63  }
0x14: {  	_ =	swait.ge [sflag:s8], $0x2800  }
0x15: {  	[sflag:s8] =	ssyncset.done $0x0  }
.Ltmp2:
0x16: {  	[sflag:s8] =	ssyncadd.s32 $0xFFFFD800;
	(pc) =	sbr.rel @p0 .LBB2_3-.Ltmp2, $4  }
0x17: {  	[tilespmem:s2], [sflag:$0x1] =	stream.linear.gather [hbm4b:s4+s2], $0x3600, $0x38;
	[tilespmem:$0x6000] =	vst v63  }
0x18: {  	_ =	swait.ge [sflag:s8], $0x3600  }
0x19: {  	[sflag:s8] =	ssyncset.done $0x0  }
0x1a: {  	s12 =	simm.s32 $0x0;
	s13 =	simm.s32 $0x0;
	[sflag:s8] =	ssyncadd.s32 $0xFFFFCA00  }
.LBB2_2:
0x1b: {  	s13 =	sshra.s32 s12, $0x2  }
0x1c: {  	v1 =	vld [tilespmem:s13+$0x0];
	_ =	sdelay $0x7  }
0x1d: {  	[tilespmem:v1+s7+$0x0] =	vst.idx.add.f32.msk $0xffff, v0  }
0x1e: {  	v1 =	vld [tilespmem:s13+$0x10];
	_ =	sdelay $0x7  }
0x1f: {  	[tilespmem:v1+s7+$0x0] =	vst.idx.add.f32.msk $0xffff, v0  }
0x20: {  	v1 =	vld [tilespmem:s13+$0x20];
	_ =	sdelay $0x7  }
0x21: {  	[tilespmem:v1+s7+$0x0] =	vst.idx.add.f32.msk $0xffff, v0  }
0x22: {  	v1 =	vld [tilespmem:s13+$0x30];
	_ =	sdelay $0x7  }
0x23: {  	[tilespmem:v1+s7+$0x0] =	vst.idx.add.f32.msk $0xffff, v0  }
0x24: {  	v1 =	vld [tilespmem:s13+$0x40];
	_ =	sdelay $0x7  }
0x25: {  	[tilespmem:v1+s7+$0x0] =	vst.idx.add.f32.msk $0xffff, v0  }
0x26: {  	v1 =	vld [tilespmem:s13+$0x50];
	_ =	sdelay $0x7  }
0x27: {  	[tilespmem:v1+s7+$0x0] =	vst.idx.add.f32.msk $0xffff, v0  }
0x28: {  	v1 =	vld [tilespmem:s13+$0x60];
	_ =	sdelay $0x7  }
0x29: {  	[tilespmem:v1+s7+$0x0] =	vst.idx.add.f32.msk $0xffff, v0  }
0x2a: {  	v1 =	vld [tilespmem:s13+$0x70];
	_ =	sdelay $0x2  }
0x2b: {  	p1 =	seq.s32 s12, $0xD600  }
.Ltmp3:
0x2c: {  	_ = 	snop;
	(pc) =	sbr.rel @!p1 .LBB2_2-.Ltmp3, $2  }
0x2d: {  	_ =	sdelay $0x2  }
0x2e: {  	s12 =	sadd.s32 $0x200, s12;
	[tilespmem:v1+s7+$0x0] =	vst.idx.add.f32.msk $0xffff, v0  }
.Ltmp4:
0x2f: {  	_ = 	snop;
	(pc) =	sbr.rel .LBB2_4-.Ltmp4, $1  }
0x30: {  	_ =	sdelay $0x3  }
.LBB2_3:
0x31: {  	s12 =	sshra.s32 s13, $0x2  }
0x32: {  	v1 =	vld [tilespmem:s12+$0x0];
	_ =	sdelay $0x7  }
0x33: {  	[tilespmem:v1+s7+$0x0] =	vst.idx.add.f32.msk $0xffff, v0  }
0x34: {  	v1 =	vld [tilespmem:s12+$0x10];
	_ =	sdelay $0x7  }
0x35: {  	[tilespmem:v1+s7+$0x0] =	vst.idx.add.f32.msk $0xffff, v0  }
0x36: {  	v1 =	vld [tilespmem:s12+$0x20];
	_ =	sdelay $0x7  }
0x37: {  	[tilespmem:v1+s7+$0x0] =	vst.idx.add.f32.msk $0xffff, v0  }
0x38: {  	v1 =	vld [tilespmem:s12+$0x30];
	_ =	sdelay $0x7  }
0x39: {  	[tilespmem:v1+s7+$0x0] =	vst.idx.add.f32.msk $0xffff, v0  }
0x3a: {  	v1 =	vld [tilespmem:s12+$0x40];
	_ =	sdelay $0x7  }
0x3b: {  	[tilespmem:v1+s7+$0x0] =	vst.idx.add.f32.msk $0xffff, v0  }
0x3c: {  	v1 =	vld [tilespmem:s12+$0x50];
	_ =	sdelay $0x7  }
0x3d: {  	[tilespmem:v1+s7+$0x0] =	vst.idx.add.f32.msk $0xffff, v0  }
0x3e: {  	v1 =	vld [tilespmem:s12+$0x60];
	_ =	sdelay $0x7  }
0x3f: {  	[tilespmem:v1+s7+$0x0] =	vst.idx.add.f32.msk $0xffff, v0  }
0x40: {  	v1 =	vld [tilespmem:s12+$0x70];
	_ =	sdelay $0x2  }
0x41: {  	p1 =	sne.s32 s13, $0x6200  }
.Ltmp5:
0x42: {  	_ = 	snop;
	(pc) =	sbr.rel @p1 .LBB2_3-.Ltmp5, $2  }
0x43: {  	_ =	sdelay $0x2  }
0x44: {  	s13 =	sadd.s32 $0x200, s13;
	[tilespmem:v1+s7+$0x0] =	vst.idx.add.f32.msk $0xffff, v0  }
.Ltmp6:
0x45: {  	_ = 	snop;
	(pc) =	sbr.rel .LBB2_4-.Ltmp6, $1  }
0x46: {  	_ =	sdelay $0x3  }
.LBB2_5:
0x47: {  	_ =	sfence.sel $0x180000  }
0x48: {  	[bflag:$0x0] =	sbarrier.arrive $0xFFFF  }
0x49: {  	p0 =	sne.s32 s0, $0x0;
	_ =	strace $0x90000047  }
0x4a: {  	s0 =	sadd.s32 @!p0 $0x100000, s1;
	[bflag:$0x2] =	sbarrier.arrive $0xFFFF  }
0x4b: {  	[sflag:s0] =	ssyncadd.tile.s32 @!p0 $0x1;
	_ =	shalt  }
.Lfunc_end2:
_tile_overlayer_lowered:
.L_overlay_start_2:
0x4c: {  	(tag) =	ssettag $0x2  }
0x4d: {  	s0 =	rddreg [dreg:$0x0];
	s2 =	stileid.u32  }
0x4e: {  	s1 =	rddreg [dreg:$0x1];
	p0 =	sne.s32 s2, $0x0  }
0x4f: {  	s3 =	rddreg [dreg:$0x2];
	[bflag:$0x3] =	sbarrier.arrive $0xFFFF;
	s2 =	simm.s32 @!p0 $0x1C01  }
0x50: {  	[timem:s3], [sflag:s2] =	dma.local @!p0 [hbm:s0], s1  }
0x51: {  	s0 =	simm.s32 @!p0 $0x1  }
0x52: {  	_ =	swait.ge @!p0 [sflag:s0], s1  }
0x53: {  	s1 =	ssub.s32 @!p0 $0x0, s1;
	[sflag:s0] =	ssyncset.done @!p0 $0x0  }
0x54: {  	[sflag:s0] =	ssyncadd.s32 @!p0 s1  }
0x55: {  	[bflag:$0x3] =	sbarrier.arrive $0xFFFF  }
0x56: {  	_ =	shalt  }

</sc_bundles>
